<compile_context>
chip_gen: v7x
topology: tpu7x:2x2x1
jax: 0.10.2.dev20260603
libtpu: 0.0.44.dev20260713+nightly
codegen_flags: <defaults>
</compile_context>

<pallas_src>
import jax
import jax.numpy as jnp
from jax import lax
from jax.experimental import pallas as pl
from jax.experimental.pallas import tpu as pltpu
from jax.experimental.pallas import tpu_sc as plsc

NUM_NODES = 1000000
DIM = 32
TOTAL = NUM_NODES * DIM
WIDE = 128
ROWS = TOTAL // WIDE
NUM_CORES = 2
ROWS_PER_CORE = ROWS // NUM_CORES

PIECE = 5000
NPIECES = ROWS_PER_CORE // PIECE
NBUF = 2


def _copy_body(w_hbm, out_hbm, b0, b1, si0, si1, so0, so1):
    bufs = (b0, b1)
    isems = (si0, si1)
    osems = (so0, so1)
    base = lax.axis_index("c") * ROWS_PER_CORE

    def in_cp(p, b):
        return pltpu.make_async_copy(
            w_hbm.at[pl.ds(base + p * PIECE, PIECE)], bufs[b], isems[b])

    def out_cp(p, b):
        return pltpu.make_async_copy(
            bufs[b], out_hbm.at[pl.ds(base + p * PIECE, PIECE)], osems[b])

    in_cp(0, 0).start()
    for p in range(NPIECES):
        b = p % NBUF
        in_cp(p, b).wait()
        out_cp(p, b).start()
        if p + 1 < NPIECES:
            nb = (p + 1) % NBUF
            if p - 1 >= 0:
                out_cp(p - 1, nb).wait()
            in_cp(p + 1, nb).start()
    out_cp(NPIECES - 2, (NPIECES - 2) % NBUF).wait()
    out_cp(NPIECES - 1, (NPIECES - 1) % NBUF).wait()


def kernel(W):
    mesh = plsc.ScalarSubcoreMesh(axis_name="c")
    flat = W.reshape(ROWS, WIDE)
    out = pl.kernel(
        _copy_body,
        out_type=jax.ShapeDtypeStruct((ROWS, WIDE), jnp.float32),
        mesh=mesh,
        scratch_types=(
            [pltpu.MemorySpace.VMEM_SHARED((PIECE, WIDE), jnp.float32)
             for _ in range(NBUF)]
            + [pltpu.SemaphoreType.DMA for _ in range(2 * NBUF)]
        ),
    )(flat)
    return out.reshape(NUM_NODES, DIM)

# --- scband reference (transcript-rebuilt; emitter-appended) ---
"""Pipeline reference for scband-mtgnn-graph-learning-27118423507542 (READ-ONLY COPY).

The authoritative reference and input builder live on the scoring server;
editing this copy changes nothing except your own understanding.
"""

import jax, jax.numpy as jnp
import numpy as np

NUM_NODES = 1000000
DIM = 32


def setup_inputs(seed: int = 0) -> dict:
    key = jax.random.key(seed)
    # Embedding table initialized xavier-uniform style, per _reset_parameters
    limit = float(np.sqrt(6.0 / (NUM_NODES + DIM)))
    W = jax.random.uniform(key, (NUM_NODES, DIM), dtype=jnp.float32, minval=-limit, maxval=limit)
    return {"W": W}


def reference(W) -> jnp.ndarray:
    # forward(): nodevec = embedding(arange(num_nodes)); sampling != 'Gumbel_softmax'
    # so the output is the full-table embedding lookup (dense gather).
    idx = jnp.arange(NUM_NODES)
    nodevec = jnp.take(W, idx, axis=0)
    return nodevec

if __name__ == "__main__":
    import jax
    _d = setup_inputs()
    print(jax.jit(kernel)(*tuple(_d.values())))

</pallas_src>

<mosaic_0001>
#map = affine_map<(d0) -> (0, 0)>
module attributes {stable_mosaic.version = 14 : i64} {
  func.func @_copy_body(%arg0: i32, %arg1: memref<250000x128xf32, #tpu.memory_space<hbm>>, %arg2: memref<250000x128xf32, #tpu.memory_space<hbm>>, %arg3: memref<5000x128xf32, #tpu.memory_space<vmem_shared>>, %arg4: memref<5000x128xf32, #tpu.memory_space<vmem_shared>>, %arg5: memref<!tpu.dma_semaphore, #tpu.memory_space<semaphore_mem>>, %arg6: memref<!tpu.dma_semaphore, #tpu.memory_space<semaphore_mem>>, %arg7: memref<!tpu.dma_semaphore, #tpu.memory_space<semaphore_mem>>, %arg8: memref<!tpu.dma_semaphore, #tpu.memory_space<semaphore_mem>>) attributes {dimension_semantics = [#tpu.dimension_semantics<core_parallel>], iteration_bounds = array<i64: 2>, scalar_prefetch = 0 : i64, scratch_operands = 6 : i64, tpu.core_type = #tpu.core_type<sc_scalar_subcore>, window_params = [{transform_indices = #map}, {transform_indices = #map}]} {
    %mul3A = arith.constant 125000 : i32
    %mul3A_0 = arith.muli %arg0, %mul3A : i32
    %add3A = arith.constant 0 : i32
    %add3A_1 = arith.addi %mul3A_0, %add3A : i32
    %dma_start3A = arith.constant 0 : i32
    %dma_start3A_2 = tpu.memref_slice %arg1[%add3A_1, %dma_start3A] : memref<250000x128xf32, #tpu.memory_space<hbm>> -> memref<5000x128xf32, #tpu.memory_space<hbm>>
    tpu.enqueue_dma source(%dma_start3A_2 : memref<5000x128xf32, #tpu.memory_space<hbm>>) target(%arg3 : memref<5000x128xf32, #tpu.memory_space<vmem_shared>>) target_semaphore(%arg5 : memref<!tpu.dma_semaphore, #tpu.memory_space<semaphore_mem>>)
    %add3A_3 = arith.constant 0 : i32
    %add3A_4 = arith.addi %mul3A_0, %add3A_3 : i32
    %dma_wait3A = arith.constant 0 : i32
    %dma_wait3A_5 = tpu.memref_slice %arg1[%add3A_4, %dma_wait3A] : memref<250000x128xf32, #tpu.memory_space<hbm>> -> memref<5000x128xf32, #tpu.memory_space<hbm>>
    tpu.wait_dma2 semaphore(%arg5 : memref<!tpu.dma_semaphore, #tpu.memory_space<semaphore_mem>>) src(%dma_wait3A_5 : memref<5000x128xf32, #tpu.memory_space<hbm>>) dst(%arg3 : memref<5000x128xf32, #tpu.memory_space<vmem_shared>>)
    %add3A_6 = arith.constant 0 : i32
    %add3A_7 = arith.addi %mul3A_0, %add3A_6 : i32
    %dma_start3A_8 = arith.constant 0 : i32
    %dma_start3A_9 = tpu.memref_slice %arg2[%add3A_7, %dma_start3A_8] : memref<250000x128xf32, #tpu.memory_space<hbm>> -> memref<5000x128xf32, #tpu.memory_space<hbm>>
    tpu.enqueue_dma source(%arg3 : memref<5000x128xf32, #tpu.memory_space<vmem_shared>>) target(%dma_start3A_9 : memref<5000x128xf32, #tpu.memory_space<hbm>>) target_semaphore(%arg7 : memref<!tpu.dma_semaphore, #tpu.memory_space<semaphore_mem>>)
    %add3A_10 = arith.constant 5000 : i32
    %add3A_11 = arith.addi %mul3A_0, %add3A_10 : i32
    %dma_start3A_12 = arith.constant 0 : i32
    %dma_start3A_13 = tpu.memref_slice %arg1[%add3A_11, %dma_start3A_12] : memref<250000x128xf32, #tpu.memory_space<hbm>> -> memref<5000x128xf32, #tpu.memory_space<hbm>>
    tpu.enqueue_dma source(%dma_start3A_13 : memref<5000x128xf32, #tpu.memory_space<hbm>>) target(%arg4 : memref<5000x128xf32, #tpu.memory_space<vmem_shared>>) target_semaphore(%arg6 : memref<!tpu.dma_semaphore, #tpu.memory_space<semaphore_mem>>)
    %add3A_14 = arith.constant 5000 : i32
    %add3A_15 = arith.addi %mul3A_0, %add3A_14 : i32
    %dma_wait3A_16 = arith.constant 0 : i32
    %dma_wait3A_17 = tpu.memref_slice %arg1[%add3A_15, %dma_wait3A_16] : memref<250000x128xf32, #tpu.memory_space<hbm>> -> memref<5000x128xf32, #tpu.memory_space<hbm>>
    tpu.wait_dma2 semaphore(%arg6 : memref<!tpu.dma_semaphore, #tpu.memory_space<semaphore_mem>>) src(%dma_wait3A_17 : memref<5000x128xf32, #tpu.memory_space<hbm>>) dst(%arg4 : memref<5000x128xf32, #tpu.memory_space<vmem_shared>>)
    %add3A_18 = arith.constant 5000 : i32
    %add3A_19 = arith.addi %mul3A_0, %add3A_18 : i32
    %dma_start3A_20 = arith.constant 0 : i32
    %dma_start3A_21 = tpu.memref_slice %arg2[%add3A_19, %dma_start3A_20] : memref<250000x128xf32, #tpu.memory_space<hbm>> -> memref<5000x128xf32, #tpu.memory_space<hbm>>
    tpu.enqueue_dma source(%arg4 : memref<5000x128xf32, #tpu.memory_space<vmem_shared>>) target(%dma_start3A_21 : memref<5000x128xf32, #tpu.memory_space<hbm>>) target_semaphore(%arg8 : memref<!tpu.dma_semaphore, #tpu.memory_space<semaphore_mem>>)
    %add3A_22 = arith.constant 0 : i32
    %add3A_23 = arith.addi %mul3A_0, %add3A_22 : i32
    %dma_wait3A_24 = arith.constant 0 : i32
    %dma_wait3A_25 = tpu.memref_slice %arg2[%add3A_23, %dma_wait3A_24] : memref<250000x128xf32, #tpu.memory_space<hbm>> -> memref<5000x128xf32, #tpu.memory_space<hbm>>
    tpu.wait_dma2 semaphore(%arg7 : memref<!tpu.dma_semaphore, #tpu.memory_space<semaphore_mem>>) src(%arg3 : memref<5000x128xf32, #tpu.memory_space<vmem_shared>>) dst(%dma_wait3A_25 : memref<5000x128xf32, #tpu.memory_space<hbm>>)
    %add3A_26 = arith.constant 10000 : i32
    %add3A_27 = arith.addi %mul3A_0, %add3A_26 : i32
    %dma_start3A_28 = arith.constant 0 : i32
    %dma_start3A_29 = tpu.memref_slice %arg1[%add3A_27, %dma_start3A_28] : memref<250000x128xf32, #tpu.memory_space<hbm>> -> memref<5000x128xf32, #tpu.memory_space<hbm>>
    tpu.enqueue_dma source(%dma_start3A_29 : memref<5000x128xf32, #tpu.memory_space<hbm>>) target(%arg3 : memref<5000x128xf32, #tpu.memory_space<vmem_shared>>) target_semaphore(%arg5 : memref<!tpu.dma_semaphore, #tpu.memory_space<semaphore_mem>>)
    %add3A_30 = arith.constant 10000 : i32
    %add3A_31 = arith.addi %mul3A_0, %add3A_30 : i32
    %dma_wait3A_32 = arith.constant 0 : i32
    %dma_wait3A_33 = tpu.memref_slice %arg1[%add3A_31, %dma_wait3A_32] : memref<250000x128xf32, #tpu.memory_space<hbm>> -> memref<5000x128xf32, #tpu.memory_space<hbm>>
    tpu.wait_dma2 semaphore(%arg5 : memref<!tpu.dma_semaphore, #tpu.memory_space<semaphore_mem>>) src(%dma_wait3A_33 : memref<5000x128xf32, #tpu.memory_space<hbm>>) dst(%arg3 : memref<5000x128xf32, #tpu.memory_space<vmem_shared>>)
    %add3A_34 = arith.constant 10000 : i32
    %add3A_35 = arith.addi %mul3A_0, %add3A_34 : i32
    %dma_start3A_36 = arith.constant 0 : i32
    %dma_start3A_37 = tpu.memref_slice %arg2[%add3A_35, %dma_start3A_36] : memref<250000x128xf32, #tpu.memory_space<hbm>> -> memref<5000x128xf32, #tpu.memory_space<hbm>>
    tpu.enqueue_dma source(%arg3 : memref<5000x128xf32, #tpu.memory_space<vmem_shared>>) target(%dma_start3A_37 : memref<5000x128xf32, #tpu.memory_space<hbm>>) target_semaphore(%arg7 : memref<!tpu.dma_semaphore, #tpu.memory_space<semaphore_mem>>)
    %add3A_38 = arith.constant 5000 : i32
    %add3A_39 = arith.addi %mul3A_0, %add3A_38 : i32
    %dma_wait3A_40 = arith.constant 0 : i32
    %dma_wait3A_41 = tpu.memref_slice %arg2[%add3A_39, %dma_wait3A_40] : memref<250000x128xf32, #tpu.memory_space<hbm>> -> memref<5000x128xf32, #tpu.memory_space<hbm>>
    tpu.wait_dma2 semaphore(%arg8 : memref<!tpu.dma_semaphore, #tpu.memory_space<semaphore_mem>>) src(%arg4 : memref<5000x128xf32, #tpu.memory_space<vmem_shared>>) dst(%dma_wait3A_41 : memref<5000x128xf32, #tpu.memory_space<hbm>>)
    %add3A_42 = arith.constant 15000 : i32
    %add3A_43 = arith.addi %mul3A_0, %add3A_42 : i32
    %dma_start3A_44 = arith.constant 0 : i32
    %dma_start3A_45 = tpu.memref_slice %arg1[%add3A_43, %dma_start3A_44] : memref<250000x128xf32, #tpu.memory_space<hbm>> -> memref<5000x128xf32, #tpu.memory_space<hbm>>
    tpu.enqueue_dma source(%dma_start3A_45 : memref<5000x128xf32, #tpu.memory_space<hbm>>) target(%arg4 : memref<5000x128xf32, #tpu.memory_space<vmem_shared>>) target_semaphore(%arg6 : memref<!tpu.dma_semaphore, #tpu.memory_space<semaphore_mem>>)
    %add3A_46 = arith.constant 15000 : i32
    %add3A_47 = arith.addi %mul3A_0, %add3A_46 : i32
    %dma_wait3A_48 = arith.constant 0 : i32
    %dma_wait3A_49 = tpu.memref_slice %arg1[%add3A_47, %dma_wait3A_48] : memref<250000x128xf32, #tpu.memory_space<hbm>> -> memref<5000x128xf32, #tpu.memory_space<hbm>>
    tpu.wait_dma2 semaphore(%arg6 : memref<!tpu.dma_semaphore, #tpu.memory_space<semaphore_mem>>) src(%dma_wait3A_49 : memref<5000x128xf32, #tpu.memory_space<hbm>>) dst(%arg4 : memref<5000x128xf32, #tpu.memory_space<vmem_shared>>)
    %add3A_50 = arith.constant 15000 : i32
    %add3A_51 = arith.addi %mul3A_0, %add3A_50 : i32
    %dma_start3A_52 = arith.constant 0 : i32
    %dma_start3A_53 = tpu.memref_slice %arg2[%add3A_51, %dma_start3A_52] : memref<250000x128xf32, #tpu.memory_space<hbm>> -> memref<5000x128xf32, #tpu.memory_space<hbm>>
    tpu.enqueue_dma source(%arg4 : memref<5000x128xf32, #tpu.memory_space<vmem_shared>>) target(%dma_start3A_53 : memref<5000x128xf32, #tpu.memory_space<hbm>>) target_semaphore(%arg8 : memref<!tpu.dma_semaphore, #tpu.memory_space<semaphore_mem>>)
    %add3A_54 = arith.constant 10000 : i32
    %add3A_55 = arith.addi %mul3A_0, %add3A_54 : i32
    %dma_wait3A_56 = arith.constant 0 : i32
    %dma_wait3A_57 = tpu.memref_slice %arg2[%add3A_55, %dma_wait3A_56] : memref<250000x128xf32, #tpu.memory_space<hbm>> -> memref<5000x128xf32, #tpu.memory_space<hbm>>
    tpu.wait_dma2 semaphore(%arg7 : memref<!tpu.dma_semaphore, #tpu.memory_space<semaphore_mem>>) src(%arg3 : memref<5000x128xf32, #tpu.memory_space<vmem_shared>>) dst(%dma_wait3A_57 : memref<5000x128xf32, #tpu.memory_space<hbm>>)
    %add3A_58 = arith.constant 20000 : i32
    %add3A_59 = arith.addi %mul3A_0, %add3A_58 : i32
    %dma_start3A_60 = arith.constant 0 : i32
    %dma_start3A_61 = tpu.memref_slice %arg1[%add3A_59, %dma_start3A_60] : memref<250000x128xf32, #tpu.memory_space<hbm>> -> memref<5000x128xf32, #tpu.memory_space<hbm>>
    tpu.enqueue_dma source(%dma_start3A_61 : memref<5000x128xf32, #tpu.memory_space<hbm>>) target(%arg3 : memref<5000x128xf32, #tpu.memory_space<vmem_shared>>) target_semaphore(%arg5 : memref<!tpu.dma_semaphore, #tpu.memory_space<semaphore_mem>>)
    %add3A_62 = arith.constant 20000 : i32
    %add3A_63 = arith.addi %mul3A_0, %add3A_62 : i32
    %dma_wait3A_64 = arith.constant 0 : i32
    %dma_wait3A_65 = tpu.memref_slice %arg1[%add3A_63, %dma_wait3A_64] : memref<250000x128xf32, #tpu.memory_space<hbm>> -> memref<5000x128xf32, #tpu.memory_space<hbm>>
    tpu.wait_dma2 semaphore(%arg5 : memref<!tpu.dma_semaphore, #tpu.memory_space<semaphore_mem>>) src(%dma_wait3A_65 : memref<5000x128xf32, #tpu.memory_space<hbm>>) dst(%arg3 : memref<5000x128xf32, #tpu.memory_space<vmem_shared>>)
    %add3A_66 = arith.constant 20000 : i32
    %add3A_67 = arith.addi %mul3A_0, %add3A_66 : i32
    %dma_start3A_68 = arith.constant 0 : i32
    %dma_start3A_69 = tpu.memref_slice %arg2[%add3A_67, %dma_start3A_68] : memref<250000x128xf32, #tpu.memory_space<hbm>> -> memref<5000x128xf32, #tpu.memory_space<hbm>>
    tpu.enqueue_dma source(%arg3 : memref<5000x128xf32, #tpu.memory_space<vmem_shared>>) target(%dma_start3A_69 : memref<5000x128xf32, #tpu.memory_space<hbm>>) target_semaphore(%arg7 : memref<!tpu.dma_semaphore, #tpu.memory_space<semaphore_mem>>)
    %add3A_70 = arith.constant 15000 : i32
    %add3A_71 = arith.addi %mul3A_0, %add3A_70 : i32
    %dma_wait3A_72 = arith.constant 0 : i32
    %dma_wait3A_73 = tpu.memref_slice %arg2[%add3A_71, %dma_wait3A_72] : memref<250000x128xf32, #tpu.memory_space<hbm>> -> memref<5000x128xf32, #tpu.memory_space<hbm>>
    tpu.wait_dma2 semaphore(%arg8 : memref<!tpu.dma_semaphore, #tpu.memory_space<semaphore_mem>>) src(%arg4 : memref<5000x128xf32, #tpu.memory_space<vmem_shared>>) dst(%dma_wait3A_73 : memref<5000x128xf32, #tpu.memory_space<hbm>>)
    %add3A_74 = arith.constant 25000 : i32
    %add3A_75 = arith.addi %mul3A_0, %add3A_74 : i32
    %dma_start3A_76 = arith.constant 0 : i32
    %dma_start3A_77 = tpu.memref_slice %arg1[%add3A_75, %dma_start3A_76] : memref<250000x128xf32, #tpu.memory_space<hbm>> -> memref<5000x128xf32, #tpu.memory_space<hbm>>
    tpu.enqueue_dma source(%dma_start3A_77 : memref<5000x128xf32, #tpu.memory_space<hbm>>) target(%arg4 : memref<5000x128xf32, #tpu.memory_space<vmem_shared>>) target_semaphore(%arg6 : memref<!tpu.dma_semaphore, #tpu.memory_space<semaphore_mem>>)
    %add3A_78 = arith.constant 25000 : i32
    %add3A_79 = arith.addi %mul3A_0, %add3A_78 : i32
    %dma_wait3A_80 = arith.constant 0 : i32
    %dma_wait3A_81 = tpu.memref_slice %arg1[%add3A_79, %dma_wait3A_80] : memref<250000x128xf32, #tpu.memory_space<hbm>> -> memref<5000x128xf32, #tpu.memory_space<hbm>>
    tpu.wait_dma2 semaphore(%arg6 : memref<!tpu.dma_semaphore, #tpu.memory_space<semaphore_mem>>) src(%dma_wait3A_81 : memref<5000x128xf32, #tpu.memory_space<hbm>>) dst(%arg4 : memref<5000x128xf32, #tpu.memory_space<vmem_shared>>)
    %add3A_82 = arith.constant 25000 : i32
    %add3A_83 = arith.addi %mul3A_0, %add3A_82 : i32
    %dma_start3A_84 = arith.constant 0 : i32
    %dma_start3A_85 = tpu.memref_slice %arg2[%add3A_83, %dma_start3A_84] : memref<250000x128xf32, #tpu.memory_space<hbm>> -> memref<5000x128xf32, #tpu.memory_space<hbm>>
    tpu.enqueue_dma source(%arg4 : memref<5000x128xf32, #tpu.memory_space<vmem_shared>>) target(%dma_start3A_85 : memref<5000x128xf32, #tpu.memory_space<hbm>>) target_semaphore(%arg8 : memref<!tpu.dma_semaphore, #tpu.memory_space<semaphore_mem>>)
    %add3A_86 = arith.constant 20000 : i32
    %add3A_87 = arith.addi %mul3A_0, %add3A_86 : i32
    %dma_wait3A_88 = arith.constant 0 : i32
    %dma_wait3A_89 = tpu.memref_slice %arg2[%add3A_87, %dma_wait3A_88] : memref<250000x128xf32, #tpu.memory_space<hbm>> -> memref<5000x128xf32, #tpu.memory_space<hbm>>
    tpu.wait_dma2 semaphore(%arg7 : memref<!tpu.dma_semaphore, #tpu.memory_space<semaphore_mem>>) src(%arg3 : memref<5000x128xf32, #tpu.memory_space<vmem_shared>>) dst(%dma_wait3A_89 : memref<5000x128xf32, #tpu.memory_space<hbm>>)
    %add3A_90 = arith.constant 30000 : i32
    %add3A_91 = arith.addi %mul3A_0, %add3A_90 : i32
    %dma_start3A_92 = arith.constant 0 : i32
    %dma_start3A_93 = tpu.memref_slice %arg1[%add3A_91, %dma_start3A_92] : memref<250000x128xf32, #tpu.memory_space<hbm>> -> memref<5000x128xf32, #tpu.memory_space<hbm>>
    tpu.enqueue_dma source(%dma_start3A_93 : memref<5000x128xf32, #tpu.memory_space<hbm>>) target(%arg3 : memref<5000x128xf32, #tpu.memory_space<vmem_shared>>) target_semaphore(%arg5 : memref<!tpu.dma_semaphore, #tpu.memory_space<semaphore_mem>>)
    %add3A_94 = arith.constant 30000 : i32
    %add3A_95 = arith.addi %mul3A_0, %add3A_94 : i32
    %dma_wait3A_96 = arith.constant 0 : i32
    %dma_wait3A_97 = tpu.memref_slice %arg1[%add3A_95, %dma_wait3A_96] : memref<250000x128xf32, #tpu.memory_space<hbm>> -> memref<5000x128xf32, #tpu.memory_space<hbm>>
    tpu.wait_dma2 semaphore(%arg5 : memref<!tpu.dma_semaphore, #tpu.memory_space<semaphore_mem>>) src(%dma_wait3A_97 : memref<5000x128xf32, #tpu.memory_space<hbm>>) dst(%arg3 : memref<5000x128xf32, #tpu.memory_space<vmem_shared>>)
    %add3A_98 = arith.constant 30000 : i32
    %add3A_99 = arith.addi %mul3A_0, %add3A_98 : i32
    %dma_start3A_100 = arith.constant 0 : i32
    %dma_start3A_101 = tpu.memref_slice %arg2[%add3A_99, %dma_start3A_100] : memref<250000x128xf32, #tpu.memory_space<hbm>> -> memref<5000x128xf32, #tpu.memory_space<hbm>>
    tpu.enqueue_dma source(%arg3 : memref<5000x128xf32, #tpu.memory_space<vmem_shared>>) target(%dma_start3A_101 : memref<5000x128xf32, #tpu.memory_space<hbm>>) target_semaphore(%arg7 : memref<!tpu.dma_semaphore, #tpu.memory_space<semaphore_mem>>)
    %add3A_102 = arith.constant 25000 : i32
    %add3A_103 = arith.addi %mul3A_0, %add3A_102 : i32
    %dma_wait3A_104 = arith.constant 0 : i32
    %dma_wait3A_105 = tpu.memref_slice %arg2[%add3A_103, %dma_wait3A_104] : memref<250000x128xf32, #tpu.memory_space<hbm>> -> memref<5000x128xf32, #tpu.memory_space<hbm>>
    tpu.wait_dma2 semaphore(%arg8 : memref<!tpu.dma_semaphore, #tpu.memory_space<semaphore_mem>>) src(%arg4 : memref<5000x128xf32, #tpu.memory_space<vmem_shared>>) dst(%dma_wait3A_105 : memref<5000x128xf32, #tpu.memory_space<hbm>>)
    %add3A_106 = arith.constant 35000 : i32
    %add3A_107 = arith.addi %mul3A_0, %add3A_106 : i32
    %dma_start3A_108 = arith.constant 0 : i32
    %dma_start3A_109 = tpu.memref_slice %arg1[%add3A_107, %dma_start3A_108] : memref<250000x128xf32, #tpu.memory_space<hbm>> -> memref<5000x128xf32, #tpu.memory_space<hbm>>
    tpu.enqueue_dma source(%dma_start3A_109 : memref<5000x128xf32, #tpu.memory_space<hbm>>) target(%arg4 : memref<5000x128xf32, #tpu.memory_space<vmem_shared>>) target_semaphore(%arg6 : memref<!tpu.dma_semaphore, #tpu.memory_space<semaphore_mem>>)
    %add3A_110 = arith.constant 35000 : i32
    %add3A_111 = arith.addi %mul3A_0, %add3A_110 : i32
    %dma_wait3A_112 = arith.constant 0 : i32
    %dma_wait3A_113 = tpu.memref_slice %arg1[%add3A_111, %dma_wait3A_112] : memref<250000x128xf32, #tpu.memory_space<hbm>> -> memref<5000x128xf32, #tpu.memory_space<hbm>>
    tpu.wait_dma2 semaphore(%arg6 : memref<!tpu.dma_semaphore, #tpu.memory_space<semaphore_mem>>) src(%dma_wait3A_113 : memref<5000x128xf32, #tpu.memory_space<hbm>>) dst(%arg4 : memref<5000x128xf32, #tpu.memory_space<vmem_shared>>)
    %add3A_114 = arith.constant 35000 : i32
    %add3A_115 = arith.addi %mul3A_0, %add3A_114 : i32
    %dma_start3A_116 = arith.constant 0 : i32
    %dma_start3A_117 = tpu.memref_slice %arg2[%add3A_115, %dma_start3A_116] : memref<250000x128xf32, #tpu.memory_space<hbm>> -> memref<5000x128xf32, #tpu.memory_space<hbm>>
    tpu.enqueue_dma source(%arg4 : memref<5000x128xf32, #tpu.memory_space<vmem_shared>>) target(%dma_start3A_117 : memref<5000x128xf32, #tpu.memory_space<hbm>>) target_semaphore(%arg8 : memref<!tpu.dma_semaphore, #tpu.memory_space<semaphore_mem>>)
    %add3A_118 = arith.constant 30000 : i32
    %add3A_119 = arith.addi %mul3A_0, %add3A_118 : i32
    %dma_wait3A_120 = arith.constant 0 : i32
    %dma_wait3A_121 = tpu.memref_slice %arg2[%add3A_119, %dma_wait3A_120] : memref<250000x128xf32, #tpu.memory_space<hbm>> -> memref<5000x128xf32, #tpu.memory_space<hbm>>
    tpu.wait_dma2 semaphore(%arg7 : memref<!tpu.dma_semaphore, #tpu.memory_space<semaphore_mem>>) src(%arg3 : memref<5000x128xf32, #tpu.memory_space<vmem_shared>>) dst(%dma_wait3A_121 : memref<5000x128xf32, #tpu.memory_space<hbm>>)
    %add3A_122 = arith.constant 40000 : i32
    %add3A_123 = arith.addi %mul3A_0, %add3A_122 : i32
    %dma_start3A_124 = arith.constant 0 : i32
    %dma_start3A_125 = tpu.memref_slice %arg1[%add3A_123, %dma_start3A_124] : memref<250000x128xf32, #tpu.memory_space<hbm>> -> memref<5000x128xf32, #tpu.memory_space<hbm>>
    tpu.enqueue_dma source(%dma_start3A_125 : memref<5000x128xf32, #tpu.memory_space<hbm>>) target(%arg3 : memref<5000x128xf32, #tpu.memory_space<vmem_shared>>) target_semaphore(%arg5 : memref<!tpu.dma_semaphore, #tpu.memory_space<semaphore_mem>>)
    %add3A_126 = arith.constant 40000 : i32
    %add3A_127 = arith.addi %mul3A_0, %add3A_126 : i32
    %dma_wait3A_128 = arith.constant 0 : i32
    %dma_wait3A_129 = tpu.memref_slice %arg1[%add3A_127, %dma_wait3A_128] : memref<250000x128xf32, #tpu.memory_space<hbm>> -> memref<5000x128xf32, #tpu.memory_space<hbm>>
    tpu.wait_dma2 semaphore(%arg5 : memref<!tpu.dma_semaphore, #tpu.memory_space<semaphore_mem>>) src(%dma_wait3A_129 : memref<5000x128xf32, #tpu.memory_space<hbm>>) dst(%arg3 : memref<5000x128xf32, #tpu.memory_space<vmem_shared>>)
    %add3A_130 = arith.constant 40000 : i32
    %add3A_131 = arith.addi %mul3A_0, %add3A_130 : i32
    %dma_start3A_132 = arith.constant 0 : i32
    %dma_start3A_133 = tpu.memref_slice %arg2[%add3A_131, %dma_start3A_132] : memref<250000x128xf32, #tpu.memory_space<hbm>> -> memref<5000x128xf32, #tpu.memory_space<hbm>>
    tpu.enqueue_dma source(%arg3 : memref<5000x128xf32, #tpu.memory_space<vmem_shared>>) target(%dma_start3A_133 : memref<5000x128xf32, #tpu.memory_space<hbm>>) target_semaphore(%arg7 : memref<!tpu.dma_semaphore, #tpu.memory_space<semaphore_mem>>)
    %add3A_134 = arith.constant 35000 : i32
    %add3A_135 = arith.addi %mul3A_0, %add3A_134 : i32
    %dma_wait3A_136 = arith.constant 0 : i32
    %dma_wait3A_137 = tpu.memref_slice %arg2[%add3A_135, %dma_wait3A_136] : memref<250000x128xf32, #tpu.memory_space<hbm>> -> memref<5000x128xf32, #tpu.memory_space<hbm>>
    tpu.wait_dma2 semaphore(%arg8 : memref<!tpu.dma_semaphore, #tpu.memory_space<semaphore_mem>>) src(%arg4 : memref<5000x128xf32, #tpu.memory_space<vmem_shared>>) dst(%dma_wait3A_137 : memref<5000x128xf32, #tpu.memory_space<hbm>>)
    %add3A_138 = arith.constant 45000 : i32
    %add3A_139 = arith.addi %mul3A_0, %add3A_138 : i32
    %dma_start3A_140 = arith.constant 0 : i32
    %dma_start3A_141 = tpu.memref_slice %arg1[%add3A_139, %dma_start3A_140] : memref<250000x128xf32, #tpu.memory_space<hbm>> -> memref<5000x128xf32, #tpu.memory_space<hbm>>
    tpu.enqueue_dma source(%dma_start3A_141 : memref<5000x128xf32, #tpu.memory_space<hbm>>) target(%arg4 : memref<5000x128xf32, #tpu.memory_space<vmem_shared>>) target_semaphore(%arg6 : memref<!tpu.dma_semaphore, #tpu.memory_space<semaphore_mem>>)
    %add3A_142 = arith.constant 45000 : i32
    %add3A_143 = arith.addi %mul3A_0, %add3A_142 : i32
    %dma_wait3A_144 = arith.constant 0 : i32
    %dma_wait3A_145 = tpu.memref_slice %arg1[%add3A_143, %dma_wait3A_144] : memref<250000x128xf32, #tpu.memory_space<hbm>> -> memref<5000x128xf32, #tpu.memory_space<hbm>>
    tpu.wait_dma2 semaphore(%arg6 : memref<!tpu.dma_semaphore, #tpu.memory_space<semaphore_mem>>) src(%dma_wait3A_145 : memref<5000x128xf32, #tpu.memory_space<hbm>>) dst(%arg4 : memref<5000x128xf32, #tpu.memory_space<vmem_shared>>)
    %add3A_146 = arith.constant 45000 : i32
    %add3A_147 = arith.addi %mul3A_0, %add3A_146 : i32
    %dma_start3A_148 = arith.constant 0 : i32
    %dma_start3A_149 = tpu.memref_slice %arg2[%add3A_147, %dma_start3A_148] : memref<250000x128xf32, #tpu.memory_space<hbm>> -> memref<5000x128xf32, #tpu.memory_space<hbm>>
    tpu.enqueue_dma source(%arg4 : memref<5000x128xf32, #tpu.memory_space<vmem_shared>>) target(%dma_start3A_149 : memref<5000x128xf32, #tpu.memory_space<hbm>>) target_semaphore(%arg8 : memref<!tpu.dma_semaphore, #tpu.memory_space<semaphore_mem>>)
    %add3A_150 = arith.constant 40000 : i32
    %add3A_151 = arith.addi %mul3A_0, %add3A_150 : i32
    %dma_wait3A_152 = arith.constant 0 : i32
    %dma_wait3A_153 = tpu.memref_slice %arg2[%add3A_151, %dma_wait3A_152] : memref<250000x128xf32, #tpu.memory_space<hbm>> -> memref<5000x128xf32, #tpu.memory_space<hbm>>
    tpu.wait_dma2 semaphore(%arg7 : memref<!tpu.dma_semaphore, #tpu.memory_space<semaphore_mem>>) src(%arg3 : memref<5000x128xf32, #tpu.memory_space<vmem_shared>>) dst(%dma_wait3A_153 : memref<5000x128xf32, #tpu.memory_space<hbm>>)
    %add3A_154 = arith.constant 50000 : i32
    %add3A_155 = arith.addi %mul3A_0, %add3A_154 : i32
    %dma_start3A_156 = arith.constant 0 : i32
    %dma_start3A_157 = tpu.memref_slice %arg1[%add3A_155, %dma_start3A_156] : memref<250000x128xf32, #tpu.memory_space<hbm>> -> memref<5000x128xf32, #tpu.memory_space<hbm>>
    tpu.enqueue_dma source(%dma_start3A_157 : memref<5000x128xf32, #tpu.memory_space<hbm>>) target(%arg3 : memref<5000x128xf32, #tpu.memory_space<vmem_shared>>) target_semaphore(%arg5 : memref<!tpu.dma_semaphore, #tpu.memory_space<semaphore_mem>>)
    %add3A_158 = arith.constant 50000 : i32
    %add3A_159 = arith.addi %mul3A_0, %add3A_158 : i32
    %dma_wait3A_160 = arith.constant 0 : i32
    %dma_wait3A_161 = tpu.memref_slice %arg1[%add3A_159, %dma_wait3A_160] : memref<250000x128xf32, #tpu.memory_space<hbm>> -> memref<5000x128xf32, #tpu.memory_space<hbm>>
    tpu.wait_dma2 semaphore(%arg5 : memref<!tpu.dma_semaphore, #tpu.memory_space<semaphore_mem>>) src(%dma_wait3A_161 : memref<5000x128xf32, #tpu.memory_space<hbm>>) dst(%arg3 : memref<5000x128xf32, #tpu.memory_space<vmem_shared>>)
    %add3A_162 = arith.constant 50000 : i32
    %add3A_163 = arith.addi %mul3A_0, %add3A_162 : i32
    %dma_start3A_164 = arith.constant 0 : i32
    %dma_start3A_165 = tpu.memref_slice %arg2[%add3A_163, %dma_start3A_164] : memref<250000x128xf32, #tpu.memory_space<hbm>> -> memref<5000x128xf32, #tpu.memory_space<hbm>>
    tpu.enqueue_dma source(%arg3 : memref<5000x128xf32, #tpu.memory_space<vmem_shared>>) target(%dma_start3A_165 : memref<5000x128xf32, #tpu.memory_space<hbm>>) target_semaphore(%arg7 : memref<!tpu.dma_semaphore, #tpu.memory_space<semaphore_mem>>)
    %add3A_166 = arith.constant 45000 : i32
    %add3A_167 = arith.addi %mul3A_0, %add3A_166 : i32
    %dma_wait3A_168 = arith.constant 0 : i32
    %dma_wait3A_169 = tpu.memref_slice %arg2[%add3A_167, %dma_wait3A_168] : memref<250000x128xf32, #tpu.memory_space<hbm>> -> memref<5000x128xf32, #tpu.memory_space<hbm>>
    tpu.wait_dma2 semaphore(%arg8 : memref<!tpu.dma_semaphore, #tpu.memory_space<semaphore_mem>>) src(%arg4 : memref<5000x128xf32, #tpu.memory_space<vmem_shared>>) dst(%dma_wait3A_169 : memref<5000x128xf32, #tpu.memory_space<hbm>>)
    %add3A_170 = arith.constant 55000 : i32
    %add3A_171 = arith.addi %mul3A_0, %add3A_170 : i32
    %dma_start3A_172 = arith.constant 0 : i32
    %dma_start3A_173 = tpu.memref_slice %arg1[%add3A_171, %dma_start3A_172] : memref<250000x128xf32, #tpu.memory_space<hbm>> -> memref<5000x128xf32, #tpu.memory_space<hbm>>
    tpu.enqueue_dma source(%dma_start3A_173 : memref<5000x128xf32, #tpu.memory_space<hbm>>) target(%arg4 : memref<5000x128xf32, #tpu.memory_space<vmem_shared>>) target_semaphore(%arg6 : memref<!tpu.dma_semaphore, #tpu.memory_space<semaphore_mem>>)
    %add3A_174 = arith.constant 55000 : i32
    %add3A_175 = arith.addi %mul3A_0, %add3A_174 : i32
    %dma_wait3A_176 = arith.constant 0 : i32
    %dma_wait3A_177 = tpu.memref_slice %arg1[%add3A_175, %dma_wait3A_176] : memref<250000x128xf32, #tpu.memory_space<hbm>> -> memref<5000x128xf32, #tpu.memory_space<hbm>>
    tpu.wait_dma2 semaphore(%arg6 : memref<!tpu.dma_semaphore, #tpu.memory_space<semaphore_mem>>) src(%dma_wait3A_177 : memref<5000x128xf32, #tpu.memory_space<hbm>>) dst(%arg4 : memref<5000x128xf32, #tpu.memory_space<vmem_shared>>)
    %add3A_178 = arith.constant 55000 : i32
    %add3A_179 = arith.addi %mul3A_0, %add3A_178 : i32
    %dma_start3A_180 = arith.constant 0 : i32
    %dma_start3A_181 = tpu.memref_slice %arg2[%add3A_179, %dma_start3A_180] : memref<250000x128xf32, #tpu.memory_space<hbm>> -> memref<5000x128xf32, #tpu.memory_space<hbm>>
    tpu.enqueue_dma source(%arg4 : memref<5000x128xf32, #tpu.memory_space<vmem_shared>>) target(%dma_start3A_181 : memref<5000x128xf32, #tpu.memory_space<hbm>>) target_semaphore(%arg8 : memref<!tpu.dma_semaphore, #tpu.memory_space<semaphore_mem>>)
    %add3A_182 = arith.constant 50000 : i32
    %add3A_183 = arith.addi %mul3A_0, %add3A_182 : i32
    %dma_wait3A_184 = arith.constant 0 : i32
    %dma_wait3A_185 = tpu.memref_slice %arg2[%add3A_183, %dma_wait3A_184] : memref<250000x128xf32, #tpu.memory_space<hbm>> -> memref<5000x128xf32, #tpu.memory_space<hbm>>
    tpu.wait_dma2 semaphore(%arg7 : memref<!tpu.dma_semaphore, #tpu.memory_space<semaphore_mem>>) src(%arg3 : memref<5000x128xf32, #tpu.memory_space<vmem_shared>>) dst(%dma_wait3A_185 : memref<5000x128xf32, #tpu.memory_space<hbm>>)
    %add3A_186 = arith.constant 60000 : i32
    %add3A_187 = arith.addi %mul3A_0, %add3A_186 : i32
    %dma_start3A_188 = arith.constant 0 : i32
    %dma_start3A_189 = tpu.memref_slice %arg1[%add3A_187, %dma_start3A_188] : memref<250000x128xf32, #tpu.memory_space<hbm>> -> memref<5000x128xf32, #tpu.memory_space<hbm>>
    tpu.enqueue_dma source(%dma_start3A_189 : memref<5000x128xf32, #tpu.memory_space<hbm>>) target(%arg3 : memref<5000x128xf32, #tpu.memory_space<vmem_shared>>) target_semaphore(%arg5 : memref<!tpu.dma_semaphore, #tpu.memory_space<semaphore_mem>>)
    %add3A_190 = arith.constant 60000 : i32
    %add3A_191 = arith.addi %mul3A_0, %add3A_190 : i32
    %dma_wait3A_192 = arith.constant 0 : i32
    %dma_wait3A_193 = tpu.memref_slice %arg1[%add3A_191, %dma_wait3A_192] : memref<250000x128xf32, #tpu.memory_space<hbm>> -> memref<5000x128xf32, #tpu.memory_space<hbm>>
    tpu.wait_dma2 semaphore(%arg5 : memref<!tpu.dma_semaphore, #tpu.memory_space<semaphore_mem>>) src(%dma_wait3A_193 : memref<5000x128xf32, #tpu.memory_space<hbm>>) dst(%arg3 : memref<5000x128xf32, #tpu.memory_space<vmem_shared>>)
    %add3A_194 = arith.constant 60000 : i32
    %add3A_195 = arith.addi %mul3A_0, %add3A_194 : i32
    %dma_start3A_196 = arith.constant 0 : i32
    %dma_start3A_197 = tpu.memref_slice %arg2[%add3A_195, %dma_start3A_196] : memref<250000x128xf32, #tpu.memory_space<hbm>> -> memref<5000x128xf32, #tpu.memory_space<hbm>>
    tpu.enqueue_dma source(%arg3 : memref<5000x128xf32, #tpu.memory_space<vmem_shared>>) target(%dma_start3A_197 : memref<5000x128xf32, #tpu.memory_space<hbm>>) target_semaphore(%arg7 : memref<!tpu.dma_semaphore, #tpu.memory_space<semaphore_mem>>)
    %add3A_198 = arith.constant 55000 : i32
    %add3A_199 = arith.addi %mul3A_0, %add3A_198 : i32
    %dma_wait3A_200 = arith.constant 0 : i32
    %dma_wait3A_201 = tpu.memref_slice %arg2[%add3A_199, %dma_wait3A_200] : memref<250000x128xf32, #tpu.memory_space<hbm>> -> memref<5000x128xf32, #tpu.memory_space<hbm>>
    tpu.wait_dma2 semaphore(%arg8 : memref<!tpu.dma_semaphore, #tpu.memory_space<semaphore_mem>>) src(%arg4 : memref<5000x128xf32, #tpu.memory_space<vmem_shared>>) dst(%dma_wait3A_201 : memref<5000x128xf32, #tpu.memory_space<hbm>>)
    %add3A_202 = arith.constant 65000 : i32
    %add3A_203 = arith.addi %mul3A_0, %add3A_202 : i32
    %dma_start3A_204 = arith.constant 0 : i32
    %dma_start3A_205 = tpu.memref_slice %arg1[%add3A_203, %dma_start3A_204] : memref<250000x128xf32, #tpu.memory_space<hbm>> -> memref<5000x128xf32, #tpu.memory_space<hbm>>
    tpu.enqueue_dma source(%dma_start3A_205 : memref<5000x128xf32, #tpu.memory_space<hbm>>) target(%arg4 : memref<5000x128xf32, #tpu.memory_space<vmem_shared>>) target_semaphore(%arg6 : memref<!tpu.dma_semaphore, #tpu.memory_space<semaphore_mem>>)
    %add3A_206 = arith.constant 65000 : i32
    %add3A_207 = arith.addi %mul3A_0, %add3A_206 : i32
    %dma_wait3A_208 = arith.constant 0 : i32
    %dma_wait3A_209 = tpu.memref_slice %arg1[%add3A_207, %dma_wait3A_208] : memref<250000x128xf32, #tpu.memory_space<hbm>> -> memref<5000x128xf32, #tpu.memory_space<hbm>>
    tpu.wait_dma2 semaphore(%arg6 : memref<!tpu.dma_semaphore, #tpu.memory_space<semaphore_mem>>) src(%dma_wait3A_209 : memref<5000x128xf32, #tpu.memory_space<hbm>>) dst(%arg4 : memref<5000x128xf32, #tpu.memory_space<vmem_shared>>)
    %add3A_210 = arith.constant 65000 : i32
    %add3A_211 = arith.addi %mul3A_0, %add3A_210 : i32
    %dma_start3A_212 = arith.constant 0 : i32
    %dma_start3A_213 = tpu.memref_slice %arg2[%add3A_211, %dma_start3A_212] : memref<250000x128xf32, #tpu.memory_space<hbm>> -> memref<5000x128xf32, #tpu.memory_space<hbm>>
    tpu.enqueue_dma source(%arg4 : memref<5000x128xf32, #tpu.memory_space<vmem_shared>>) target(%dma_start3A_213 : memref<5000x128xf32, #tpu.memory_space<hbm>>) target_semaphore(%arg8 : memref<!tpu.dma_semaphore, #tpu.memory_space<semaphore_mem>>)
    %add3A_214 = arith.constant 60000 : i32
    %add3A_215 = arith.addi %mul3A_0, %add3A_214 : i32
    %dma_wait3A_216 = arith.constant 0 : i32
    %dma_wait3A_217 = tpu.memref_slice %arg2[%add3A_215, %dma_wait3A_216] : memref<250000x128xf32, #tpu.memory_space<hbm>> -> memref<5000x128xf32, #tpu.memory_space<hbm>>
    tpu.wait_dma2 semaphore(%arg7 : memref<!tpu.dma_semaphore, #tpu.memory_space<semaphore_mem>>) src(%arg3 : memref<5000x128xf32, #tpu.memory_space<vmem_shared>>) dst(%dma_wait3A_217 : memref<5000x128xf32, #tpu.memory_space<hbm>>)
    %add3A_218 = arith.constant 70000 : i32
    %add3A_219 = arith.addi %mul3A_0, %add3A_218 : i32
    %dma_start3A_220 = arith.constant 0 : i32
    %dma_start3A_221 = tpu.memref_slice %arg1[%add3A_219, %dma_start3A_220] : memref<250000x128xf32, #tpu.memory_space<hbm>> -> memref<5000x128xf32, #tpu.memory_space<hbm>>
    tpu.enqueue_dma source(%dma_start3A_221 : memref<5000x128xf32, #tpu.memory_space<hbm>>) target(%arg3 : memref<5000x128xf32, #tpu.memory_space<vmem_shared>>) target_semaphore(%arg5 : memref<!tpu.dma_semaphore, #tpu.memory_space<semaphore_mem>>)
    %add3A_222 = arith.constant 70000 : i32
    %add3A_223 = arith.addi %mul3A_0, %add3A_222 : i32
    %dma_wait3A_224 = arith.constant 0 : i32
    %dma_wait3A_225 = tpu.memref_slice %arg1[%add3A_223, %dma_wait3A_224] : memref<250000x128xf32, #tpu.memory_space<hbm>> -> memref<5000x128xf32, #tpu.memory_space<hbm>>
    tpu.wait_dma2 semaphore(%arg5 : memref<!tpu.dma_semaphore, #tpu.memory_space<semaphore_mem>>) src(%dma_wait3A_225 : memref<5000x128xf32, #tpu.memory_space<hbm>>) dst(%arg3 : memref<5000x128xf32, #tpu.memory_space<vmem_shared>>)
    %add3A_226 = arith.constant 70000 : i32
    %add3A_227 = arith.addi %mul3A_0, %add3A_226 : i32
    %dma_start3A_228 = arith.constant 0 : i32
    %dma_start3A_229 = tpu.memref_slice %arg2[%add3A_227, %dma_start3A_228] : memref<250000x128xf32, #tpu.memory_space<hbm>> -> memref<5000x128xf32, #tpu.memory_space<hbm>>
    tpu.enqueue_dma source(%arg3 : memref<5000x128xf32, #tpu.memory_space<vmem_shared>>) target(%dma_start3A_229 : memref<5000x128xf32, #tpu.memory_space<hbm>>) target_semaphore(%arg7 : memref<!tpu.dma_semaphore, #tpu.memory_space<semaphore_mem>>)
    %add3A_230 = arith.constant 65000 : i32
    %add3A_231 = arith.addi %mul3A_0, %add3A_230 : i32
    %dma_wait3A_232 = arith.constant 0 : i32
    %dma_wait3A_233 = tpu.memref_slice %arg2[%add3A_231, %dma_wait3A_232] : memref<250000x128xf32, #tpu.memory_space<hbm>> -> memref<5000x128xf32, #tpu.memory_space<hbm>>
    tpu.wait_dma2 semaphore(%arg8 : memref<!tpu.dma_semaphore, #tpu.memory_space<semaphore_mem>>) src(%arg4 : memref<5000x128xf32, #tpu.memory_space<vmem_shared>>) dst(%dma_wait3A_233 : memref<5000x128xf32, #tpu.memory_space<hbm>>)
    %add3A_234 = arith.constant 75000 : i32
    %add3A_235 = arith.addi %mul3A_0, %add3A_234 : i32
    %dma_start3A_236 = arith.constant 0 : i32
    %dma_start3A_237 = tpu.memref_slice %arg1[%add3A_235, %dma_start3A_236] : memref<250000x128xf32, #tpu.memory_space<hbm>> -> memref<5000x128xf32, #tpu.memory_space<hbm>>
    tpu.enqueue_dma source(%dma_start3A_237 : memref<5000x128xf32, #tpu.memory_space<hbm>>) target(%arg4 : memref<5000x128xf32, #tpu.memory_space<vmem_shared>>) target_semaphore(%arg6 : memref<!tpu.dma_semaphore, #tpu.memory_space<semaphore_mem>>)
    %add3A_238 = arith.constant 75000 : i32
    %add3A_239 = arith.addi %mul3A_0, %add3A_238 : i32
    %dma_wait3A_240 = arith.constant 0 : i32
    %dma_wait3A_241 = tpu.memref_slice %arg1[%add3A_239, %dma_wait3A_240] : memref<250000x128xf32, #tpu.memory_space<hbm>> -> memref<5000x128xf32, #tpu.memory_space<hbm>>
    tpu.wait_dma2 semaphore(%arg6 : memref<!tpu.dma_semaphore, #tpu.memory_space<semaphore_mem>>) src(%dma_wait3A_241 : memref<5000x128xf32, #tpu.memory_space<hbm>>) dst(%arg4 : memref<5000x128xf32, #tpu.memory_space<vmem_shared>>)
    %add3A_242 = arith.constant 75000 : i32
    %add3A_243 = arith.addi %mul3A_0, %add3A_242 : i32
    %dma_start3A_244 = arith.constant 0 : i32
    %dma_start3A_245 = tpu.memref_slice %arg2[%add3A_243, %dma_start3A_244] : memref<250000x128xf32, #tpu.memory_space<hbm>> -> memref<5000x128xf32, #tpu.memory_space<hbm>>
    tpu.enqueue_dma source(%arg4 : memref<5000x128xf32, #tpu.memory_space<vmem_shared>>) target(%dma_start3A_245 : memref<5000x128xf32, #tpu.memory_space<hbm>>) target_semaphore(%arg8 : memref<!tpu.dma_semaphore, #tpu.memory_space<semaphore_mem>>)
    %add3A_246 = arith.constant 70000 : i32
    %add3A_247 = arith.addi %mul3A_0, %add3A_246 : i32
    %dma_wait3A_248 = arith.constant 0 : i32
    %dma_wait3A_249 = tpu.memref_slice %arg2[%add3A_247, %dma_wait3A_248] : memref<250000x128xf32, #tpu.memory_space<hbm>> -> memref<5000x128xf32, #tpu.memory_space<hbm>>
    tpu.wait_dma2 semaphore(%arg7 : memref<!tpu.dma_semaphore, #tpu.memory_space<semaphore_mem>>) src(%arg3 : memref<5000x128xf32, #tpu.memory_space<vmem_shared>>) dst(%dma_wait3A_249 : memref<5000x128xf32, #tpu.memory_space<hbm>>)
    %add3A_250 = arith.constant 80000 : i32
    %add3A_251 = arith.addi %mul3A_0, %add3A_250 : i32
    %dma_start3A_252 = arith.constant 0 : i32
    %dma_start3A_253 = tpu.memref_slice %arg1[%add3A_251, %dma_start3A_252] : memref<250000x128xf32, #tpu.memory_space<hbm>> -> memref<5000x128xf32, #tpu.memory_space<hbm>>
    tpu.enqueue_dma source(%dma_start3A_253 : memref<5000x128xf32, #tpu.memory_space<hbm>>) target(%arg3 : memref<5000x128xf32, #tpu.memory_space<vmem_shared>>) target_semaphore(%arg5 : memref<!tpu.dma_semaphore, #tpu.memory_space<semaphore_mem>>)
    %add3A_254 = arith.constant 80000 : i32
    %add3A_255 = arith.addi %mul3A_0, %add3A_254 : i32
    %dma_wait3A_256 = arith.constant 0 : i32
    %dma_wait3A_257 = tpu.memref_slice %arg1[%add3A_255, %dma_wait3A_256] : memref<250000x128xf32, #tpu.memory_space<hbm>> -> memref<5000x128xf32, #tpu.memory_space<hbm>>
    tpu.wait_dma2 semaphore(%arg5 : memref<!tpu.dma_semaphore, #tpu.memory_space<semaphore_mem>>) src(%dma_wait3A_257 : memref<5000x128xf32, #tpu.memory_space<hbm>>) dst(%arg3 : memref<5000x128xf32, #tpu.memory_space<vmem_shared>>)
    %add3A_258 = arith.constant 80000 : i32
    %add3A_259 = arith.addi %mul3A_0, %add3A_258 : i32
    %dma_start3A_260 = arith.constant 0 : i32
    %dma_start3A_261 = tpu.memref_slice %arg2[%add3A_259, %dma_start3A_260] : memref<250000x128xf32, #tpu.memory_space<hbm>> -> memref<5000x128xf32, #tpu.memory_space<hbm>>
    tpu.enqueue_dma source(%arg3 : memref<5000x128xf32, #tpu.memory_space<vmem_shared>>) target(%dma_start3A_261 : memref<5000x128xf32, #tpu.memory_space<hbm>>) target_semaphore(%arg7 : memref<!tpu.dma_semaphore, #tpu.memory_space<semaphore_mem>>)
    %add3A_262 = arith.constant 75000 : i32
    %add3A_263 = arith.addi %mul3A_0, %add3A_262 : i32
    %dma_wait3A_264 = arith.constant 0 : i32
    %dma_wait3A_265 = tpu.memref_slice %arg2[%add3A_263, %dma_wait3A_264] : memref<250000x128xf32, #tpu.memory_space<hbm>> -> memref<5000x128xf32, #tpu.memory_space<hbm>>
    tpu.wait_dma2 semaphore(%arg8 : memref<!tpu.dma_semaphore, #tpu.memory_space<semaphore_mem>>) src(%arg4 : memref<5000x128xf32, #tpu.memory_space<vmem_shared>>) dst(%dma_wait3A_265 : memref<5000x128xf32, #tpu.memory_space<hbm>>)
    %add3A_266 = arith.constant 85000 : i32
    %add3A_267 = arith.addi %mul3A_0, %add3A_266 : i32
    %dma_start3A_268 = arith.constant 0 : i32
    %dma_start3A_269 = tpu.memref_slice %arg1[%add3A_267, %dma_start3A_268] : memref<250000x128xf32, #tpu.memory_space<hbm>> -> memref<5000x128xf32, #tpu.memory_space<hbm>>
    tpu.enqueue_dma source(%dma_start3A_269 : memref<5000x128xf32, #tpu.memory_space<hbm>>) target(%arg4 : memref<5000x128xf32, #tpu.memory_space<vmem_shared>>) target_semaphore(%arg6 : memref<!tpu.dma_semaphore, #tpu.memory_space<semaphore_mem>>)
    %add3A_270 = arith.constant 85000 : i32
    %add3A_271 = arith.addi %mul3A_0, %add3A_270 : i32
    %dma_wait3A_272 = arith.constant 0 : i32
    %dma_wait3A_273 = tpu.memref_slice %arg1[%add3A_271, %dma_wait3A_272] : memref<250000x128xf32, #tpu.memory_space<hbm>> -> memref<5000x128xf32, #tpu.memory_space<hbm>>
    tpu.wait_dma2 semaphore(%arg6 : memref<!tpu.dma_semaphore, #tpu.memory_space<semaphore_mem>>) src(%dma_wait3A_273 : memref<5000x128xf32, #tpu.memory_space<hbm>>) dst(%arg4 : memref<5000x128xf32, #tpu.memory_space<vmem_shared>>)
    %add3A_274 = arith.constant 85000 : i32
    %add3A_275 = arith.addi %mul3A_0, %add3A_274 : i32
    %dma_start3A_276 = arith.constant 0 : i32
    %dma_start3A_277 = tpu.memref_slice %arg2[%add3A_275, %dma_start3A_276] : memref<250000x128xf32, #tpu.memory_space<hbm>> -> memref<5000x128xf32, #tpu.memory_space<hbm>>
    tpu.enqueue_dma source(%arg4 : memref<5000x128xf32, #tpu.memory_space<vmem_shared>>) target(%dma_start3A_277 : memref<5000x128xf32, #tpu.memory_space<hbm>>) target_semaphore(%arg8 : memref<!tpu.dma_semaphore, #tpu.memory_space<semaphore_mem>>)
    %add3A_278 = arith.constant 80000 : i32
    %add3A_279 = arith.addi %mul3A_0, %add3A_278 : i32
    %dma_wait3A_280 = arith.constant 0 : i32
    %dma_wait3A_281 = tpu.memref_slice %arg2[%add3A_279, %dma_wait3A_280] : memref<250000x128xf32, #tpu.memory_space<hbm>> -> memref<5000x128xf32, #tpu.memory_space<hbm>>
    tpu.wait_dma2 semaphore(%arg7 : memref<!tpu.dma_semaphore, #tpu.memory_space<semaphore_mem>>) src(%arg3 : memref<5000x128xf32, #tpu.memory_space<vmem_shared>>) dst(%dma_wait3A_281 : memref<5000x128xf32, #tpu.memory_space<hbm>>)
    %add3A_282 = arith.constant 90000 : i32
    %add3A_283 = arith.addi %mul3A_0, %add3A_282 : i32
    %dma_start3A_284 = arith.constant 0 : i32
    %dma_start3A_285 = tpu.memref_slice %arg1[%add3A_283, %dma_start3A_284] : memref<250000x128xf32, #tpu.memory_space<hbm>> -> memref<5000x128xf32, #tpu.memory_space<hbm>>
    tpu.enqueue_dma source(%dma_start3A_285 : memref<5000x128xf32, #tpu.memory_space<hbm>>) target(%arg3 : memref<5000x128xf32, #tpu.memory_space<vmem_shared>>) target_semaphore(%arg5 : memref<!tpu.dma_semaphore, #tpu.memory_space<semaphore_mem>>)
    %add3A_286 = arith.constant 90000 : i32
    %add3A_287 = arith.addi %mul3A_0, %add3A_286 : i32
    %dma_wait3A_288 = arith.constant 0 : i32
    %dma_wait3A_289 = tpu.memref_slice %arg1[%add3A_287, %dma_wait3A_288] : memref<250000x128xf32, #tpu.memory_space<hbm>> -> memref<5000x128xf32, #tpu.memory_space<hbm>>
    tpu.wait_dma2 semaphore(%arg5 : memref<!tpu.dma_semaphore, #tpu.memory_space<semaphore_mem>>) src(%dma_wait3A_289 : memref<5000x128xf32, #tpu.memory_space<hbm>>) dst(%arg3 : memref<5000x128xf32, #tpu.memory_space<vmem_shared>>)
    %add3A_290 = arith.constant 90000 : i32
    %add3A_291 = arith.addi %mul3A_0, %add3A_290 : i32
    %dma_start3A_292 = arith.constant 0 : i32
    %dma_start3A_293 = tpu.memref_slice %arg2[%add3A_291, %dma_start3A_292] : memref<250000x128xf32, #tpu.memory_space<hbm>> -> memref<5000x128xf32, #tpu.memory_space<hbm>>
    tpu.enqueue_dma source(%arg3 : memref<5000x128xf32, #tpu.memory_space<vmem_shared>>) target(%dma_start3A_293 : memref<5000x128xf32, #tpu.memory_space<hbm>>) target_semaphore(%arg7 : memref<!tpu.dma_semaphore, #tpu.memory_space<semaphore_mem>>)
    %add3A_294 = arith.constant 85000 : i32
    %add3A_295 = arith.addi %mul3A_0, %add3A_294 : i32
    %dma_wait3A_296 = arith.constant 0 : i32
    %dma_wait3A_297 = tpu.memref_slice %arg2[%add3A_295, %dma_wait3A_296] : memref<250000x128xf32, #tpu.memory_space<hbm>> -> memref<5000x128xf32, #tpu.memory_space<hbm>>
    tpu.wait_dma2 semaphore(%arg8 : memref<!tpu.dma_semaphore, #tpu.memory_space<semaphore_mem>>) src(%arg4 : memref<5000x128xf32, #tpu.memory_space<vmem_shared>>) dst(%dma_wait3A_297 : memref<5000x128xf32, #tpu.memory_space<hbm>>)
    %add3A_298 = arith.constant 95000 : i32
    %add3A_299 = arith.addi %mul3A_0, %add3A_298 : i32
    %dma_start3A_300 = arith.constant 0 : i32
    %dma_start3A_301 = tpu.memref_slice %arg1[%add3A_299, %dma_start3A_300] : memref<250000x128xf32, #tpu.memory_space<hbm>> -> memref<5000x128xf32, #tpu.memory_space<hbm>>
    tpu.enqueue_dma source(%dma_start3A_301 : memref<5000x128xf32, #tpu.memory_space<hbm>>) target(%arg4 : memref<5000x128xf32, #tpu.memory_space<vmem_shared>>) target_semaphore(%arg6 : memref<!tpu.dma_semaphore, #tpu.memory_space<semaphore_mem>>)
    %add3A_302 = arith.constant 95000 : i32
    %add3A_303 = arith.addi %mul3A_0, %add3A_302 : i32
    %dma_wait3A_304 = arith.constant 0 : i32
    %dma_wait3A_305 = tpu.memref_slice %arg1[%add3A_303, %dma_wait3A_304] : memref<250000x128xf32, #tpu.memory_space<hbm>> -> memref<5000x128xf32, #tpu.memory_space<hbm>>
    tpu.wait_dma2 semaphore(%arg6 : memref<!tpu.dma_semaphore, #tpu.memory_space<semaphore_mem>>) src(%dma_wait3A_305 : memref<5000x128xf32, #tpu.memory_space<hbm>>) dst(%arg4 : memref<5000x128xf32, #tpu.memory_space<vmem_shared>>)
    %add3A_306 = arith.constant 95000 : i32
    %add3A_307 = arith.addi %mul3A_0, %add3A_306 : i32
    %dma_start3A_308 = arith.constant 0 : i32
    %dma_start3A_309 = tpu.memref_slice %arg2[%add3A_307, %dma_start3A_308] : memref<250000x128xf32, #tpu.memory_space<hbm>> -> memref<5000x128xf32, #tpu.memory_space<hbm>>
    tpu.enqueue_dma source(%arg4 : memref<5000x128xf32, #tpu.memory_space<vmem_shared>>) target(%dma_start3A_309 : memref<5000x128xf32, #tpu.memory_space<hbm>>) target_semaphore(%arg8 : memref<!tpu.dma_semaphore, #tpu.memory_space<semaphore_mem>>)
    %add3A_310 = arith.constant 90000 : i32
    %add3A_311 = arith.addi %mul3A_0, %add3A_310 : i32
    %dma_wait3A_312 = arith.constant 0 : i32
    %dma_wait3A_313 = tpu.memref_slice %arg2[%add3A_311, %dma_wait3A_312] : memref<250000x128xf32, #tpu.memory_space<hbm>> -> memref<5000x128xf32, #tpu.memory_space<hbm>>
    tpu.wait_dma2 semaphore(%arg7 : memref<!tpu.dma_semaphore, #tpu.memory_space<semaphore_mem>>) src(%arg3 : memref<5000x128xf32, #tpu.memory_space<vmem_shared>>) dst(%dma_wait3A_313 : memref<5000x128xf32, #tpu.memory_space<hbm>>)
    %add3A_314 = arith.constant 100000 : i32
    %add3A_315 = arith.addi %mul3A_0, %add3A_314 : i32
    %dma_start3A_316 = arith.constant 0 : i32
    %dma_start3A_317 = tpu.memref_slice %arg1[%add3A_315, %dma_start3A_316] : memref<250000x128xf32, #tpu.memory_space<hbm>> -> memref<5000x128xf32, #tpu.memory_space<hbm>>
    tpu.enqueue_dma source(%dma_start3A_317 : memref<5000x128xf32, #tpu.memory_space<hbm>>) target(%arg3 : memref<5000x128xf32, #tpu.memory_space<vmem_shared>>) target_semaphore(%arg5 : memref<!tpu.dma_semaphore, #tpu.memory_space<semaphore_mem>>)
    %add3A_318 = arith.constant 100000 : i32
    %add3A_319 = arith.addi %mul3A_0, %add3A_318 : i32
    %dma_wait3A_320 = arith.constant 0 : i32
    %dma_wait3A_321 = tpu.memref_slice %arg1[%add3A_319, %dma_wait3A_320] : memref<250000x128xf32, #tpu.memory_space<hbm>> -> memref<5000x128xf32, #tpu.memory_space<hbm>>
    tpu.wait_dma2 semaphore(%arg5 : memref<!tpu.dma_semaphore, #tpu.memory_space<semaphore_mem>>) src(%dma_wait3A_321 : memref<5000x128xf32, #tpu.memory_space<hbm>>) dst(%arg3 : memref<5000x128xf32, #tpu.memory_space<vmem_shared>>)
    %add3A_322 = arith.constant 100000 : i32
    %add3A_323 = arith.addi %mul3A_0, %add3A_322 : i32
    %dma_start3A_324 = arith.constant 0 : i32
    %dma_start3A_325 = tpu.memref_slice %arg2[%add3A_323, %dma_start3A_324] : memref<250000x128xf32, #tpu.memory_space<hbm>> -> memref<5000x128xf32, #tpu.memory_space<hbm>>
    tpu.enqueue_dma source(%arg3 : memref<5000x128xf32, #tpu.memory_space<vmem_shared>>) target(%dma_start3A_325 : memref<5000x128xf32, #tpu.memory_space<hbm>>) target_semaphore(%arg7 : memref<!tpu.dma_semaphore, #tpu.memory_space<semaphore_mem>>)
    %add3A_326 = arith.constant 95000 : i32
    %add3A_327 = arith.addi %mul3A_0, %add3A_326 : i32
    %dma_wait3A_328 = arith.constant 0 : i32
    %dma_wait3A_329 = tpu.memref_slice %arg2[%add3A_327, %dma_wait3A_328] : memref<250000x128xf32, #tpu.memory_space<hbm>> -> memref<5000x128xf32, #tpu.memory_space<hbm>>
    tpu.wait_dma2 semaphore(%arg8 : memref<!tpu.dma_semaphore, #tpu.memory_space<semaphore_mem>>) src(%arg4 : memref<5000x128xf32, #tpu.memory_space<vmem_shared>>) dst(%dma_wait3A_329 : memref<5000x128xf32, #tpu.memory_space<hbm>>)
    %add3A_330 = arith.constant 105000 : i32
    %add3A_331 = arith.addi %mul3A_0, %add3A_330 : i32
    %dma_start3A_332 = arith.constant 0 : i32
    %dma_start3A_333 = tpu.memref_slice %arg1[%add3A_331, %dma_start3A_332] : memref<250000x128xf32, #tpu.memory_space<hbm>> -> memref<5000x128xf32, #tpu.memory_space<hbm>>
    tpu.enqueue_dma source(%dma_start3A_333 : memref<5000x128xf32, #tpu.memory_space<hbm>>) target(%arg4 : memref<5000x128xf32, #tpu.memory_space<vmem_shared>>) target_semaphore(%arg6 : memref<!tpu.dma_semaphore, #tpu.memory_space<semaphore_mem>>)
    %add3A_334 = arith.constant 105000 : i32
    %add3A_335 = arith.addi %mul3A_0, %add3A_334 : i32
    %dma_wait3A_336 = arith.constant 0 : i32
    %dma_wait3A_337 = tpu.memref_slice %arg1[%add3A_335, %dma_wait3A_336] : memref<250000x128xf32, #tpu.memory_space<hbm>> -> memref<5000x128xf32, #tpu.memory_space<hbm>>
    tpu.wait_dma2 semaphore(%arg6 : memref<!tpu.dma_semaphore, #tpu.memory_space<semaphore_mem>>) src(%dma_wait3A_337 : memref<5000x128xf32, #tpu.memory_space<hbm>>) dst(%arg4 : memref<5000x128xf32, #tpu.memory_space<vmem_shared>>)
    %add3A_338 = arith.constant 105000 : i32
    %add3A_339 = arith.addi %mul3A_0, %add3A_338 : i32
    %dma_start3A_340 = arith.constant 0 : i32
    %dma_start3A_341 = tpu.memref_slice %arg2[%add3A_339, %dma_start3A_340] : memref<250000x128xf32, #tpu.memory_space<hbm>> -> memref<5000x128xf32, #tpu.memory_space<hbm>>
    tpu.enqueue_dma source(%arg4 : memref<5000x128xf32, #tpu.memory_space<vmem_shared>>) target(%dma_start3A_341 : memref<5000x128xf32, #tpu.memory_space<hbm>>) target_semaphore(%arg8 : memref<!tpu.dma_semaphore, #tpu.memory_space<semaphore_mem>>)
    %add3A_342 = arith.constant 100000 : i32
    %add3A_343 = arith.addi %mul3A_0, %add3A_342 : i32
    %dma_wait3A_344 = arith.constant 0 : i32
    %dma_wait3A_345 = tpu.memref_slice %arg2[%add3A_343, %dma_wait3A_344] : memref<250000x128xf32, #tpu.memory_space<hbm>> -> memref<5000x128xf32, #tpu.memory_space<hbm>>
    tpu.wait_dma2 semaphore(%arg7 : memref<!tpu.dma_semaphore, #tpu.memory_space<semaphore_mem>>) src(%arg3 : memref<5000x128xf32, #tpu.memory_space<vmem_shared>>) dst(%dma_wait3A_345 : memref<5000x128xf32, #tpu.memory_space<hbm>>)
    %add3A_346 = arith.constant 110000 : i32
    %add3A_347 = arith.addi %mul3A_0, %add3A_346 : i32
    %dma_start3A_348 = arith.constant 0 : i32
    %dma_start3A_349 = tpu.memref_slice %arg1[%add3A_347, %dma_start3A_348] : memref<250000x128xf32, #tpu.memory_space<hbm>> -> memref<5000x128xf32, #tpu.memory_space<hbm>>
    tpu.enqueue_dma source(%dma_start3A_349 : memref<5000x128xf32, #tpu.memory_space<hbm>>) target(%arg3 : memref<5000x128xf32, #tpu.memory_space<vmem_shared>>) target_semaphore(%arg5 : memref<!tpu.dma_semaphore, #tpu.memory_space<semaphore_mem>>)
    %add3A_350 = arith.constant 110000 : i32
    %add3A_351 = arith.addi %mul3A_0, %add3A_350 : i32
    %dma_wait3A_352 = arith.constant 0 : i32
    %dma_wait3A_353 = tpu.memref_slice %arg1[%add3A_351, %dma_wait3A_352] : memref<250000x128xf32, #tpu.memory_space<hbm>> -> memref<5000x128xf32, #tpu.memory_space<hbm>>
    tpu.wait_dma2 semaphore(%arg5 : memref<!tpu.dma_semaphore, #tpu.memory_space<semaphore_mem>>) src(%dma_wait3A_353 : memref<5000x128xf32, #tpu.memory_space<hbm>>) dst(%arg3 : memref<5000x128xf32, #tpu.memory_space<vmem_shared>>)
    %add3A_354 = arith.constant 110000 : i32
    %add3A_355 = arith.addi %mul3A_0, %add3A_354 : i32
    %dma_start3A_356 = arith.constant 0 : i32
    %dma_start3A_357 = tpu.memref_slice %arg2[%add3A_355, %dma_start3A_356] : memref<250000x128xf32, #tpu.memory_space<hbm>> -> memref<5000x128xf32, #tpu.memory_space<hbm>>
    tpu.enqueue_dma source(%arg3 : memref<5000x128xf32, #tpu.memory_space<vmem_shared>>) target(%dma_start3A_357 : memref<5000x128xf32, #tpu.memory_space<hbm>>) target_semaphore(%arg7 : memref<!tpu.dma_semaphore, #tpu.memory_space<semaphore_mem>>)
    %add3A_358 = arith.constant 105000 : i32
    %add3A_359 = arith.addi %mul3A_0, %add3A_358 : i32
    %dma_wait3A_360 = arith.constant 0 : i32
    %dma_wait3A_361 = tpu.memref_slice %arg2[%add3A_359, %dma_wait3A_360] : memref<250000x128xf32, #tpu.memory_space<hbm>> -> memref<5000x128xf32, #tpu.memory_space<hbm>>
    tpu.wait_dma2 semaphore(%arg8 : memref<!tpu.dma_semaphore, #tpu.memory_space<semaphore_mem>>) src(%arg4 : memref<5000x128xf32, #tpu.memory_space<vmem_shared>>) dst(%dma_wait3A_361 : memref<5000x128xf32, #tpu.memory_space<hbm>>)
    %add3A_362 = arith.constant 115000 : i32
    %add3A_363 = arith.addi %mul3A_0, %add3A_362 : i32
    %dma_start3A_364 = arith.constant 0 : i32
    %dma_start3A_365 = tpu.memref_slice %arg1[%add3A_363, %dma_start3A_364] : memref<250000x128xf32, #tpu.memory_space<hbm>> -> memref<5000x128xf32, #tpu.memory_space<hbm>>
    tpu.enqueue_dma source(%dma_start3A_365 : memref<5000x128xf32, #tpu.memory_space<hbm>>) target(%arg4 : memref<5000x128xf32, #tpu.memory_space<vmem_shared>>) target_semaphore(%arg6 : memref<!tpu.dma_semaphore, #tpu.memory_space<semaphore_mem>>)
    %add3A_366 = arith.constant 115000 : i32
    %add3A_367 = arith.addi %mul3A_0, %add3A_366 : i32
    %dma_wait3A_368 = arith.constant 0 : i32
    %dma_wait3A_369 = tpu.memref_slice %arg1[%add3A_367, %dma_wait3A_368] : memref<250000x128xf32, #tpu.memory_space<hbm>> -> memref<5000x128xf32, #tpu.memory_space<hbm>>
    tpu.wait_dma2 semaphore(%arg6 : memref<!tpu.dma_semaphore, #tpu.memory_space<semaphore_mem>>) src(%dma_wait3A_369 : memref<5000x128xf32, #tpu.memory_space<hbm>>) dst(%arg4 : memref<5000x128xf32, #tpu.memory_space<vmem_shared>>)
    %add3A_370 = arith.constant 115000 : i32
    %add3A_371 = arith.addi %mul3A_0, %add3A_370 : i32
    %dma_start3A_372 = arith.constant 0 : i32
    %dma_start3A_373 = tpu.memref_slice %arg2[%add3A_371, %dma_start3A_372] : memref<250000x128xf32, #tpu.memory_space<hbm>> -> memref<5000x128xf32, #tpu.memory_space<hbm>>
    tpu.enqueue_dma source(%arg4 : memref<5000x128xf32, #tpu.memory_space<vmem_shared>>) target(%dma_start3A_373 : memref<5000x128xf32, #tpu.memory_space<hbm>>) target_semaphore(%arg8 : memref<!tpu.dma_semaphore, #tpu.memory_space<semaphore_mem>>)
    %add3A_374 = arith.constant 110000 : i32
    %add3A_375 = arith.addi %mul3A_0, %add3A_374 : i32
    %dma_wait3A_376 = arith.constant 0 : i32
    %dma_wait3A_377 = tpu.memref_slice %arg2[%add3A_375, %dma_wait3A_376] : memref<250000x128xf32, #tpu.memory_space<hbm>> -> memref<5000x128xf32, #tpu.memory_space<hbm>>
    tpu.wait_dma2 semaphore(%arg7 : memref<!tpu.dma_semaphore, #tpu.memory_space<semaphore_mem>>) src(%arg3 : memref<5000x128xf32, #tpu.memory_space<vmem_shared>>) dst(%dma_wait3A_377 : memref<5000x128xf32, #tpu.memory_space<hbm>>)
    %add3A_378 = arith.constant 120000 : i32
    %add3A_379 = arith.addi %mul3A_0, %add3A_378 : i32
    %dma_start3A_380 = arith.constant 0 : i32
    %dma_start3A_381 = tpu.memref_slice %arg1[%add3A_379, %dma_start3A_380] : memref<250000x128xf32, #tpu.memory_space<hbm>> -> memref<5000x128xf32, #tpu.memory_space<hbm>>
    tpu.enqueue_dma source(%dma_start3A_381 : memref<5000x128xf32, #tpu.memory_space<hbm>>) target(%arg3 : memref<5000x128xf32, #tpu.memory_space<vmem_shared>>) target_semaphore(%arg5 : memref<!tpu.dma_semaphore, #tpu.memory_space<semaphore_mem>>)
    %add3A_382 = arith.constant 120000 : i32
    %add3A_383 = arith.addi %mul3A_0, %add3A_382 : i32
    %dma_wait3A_384 = arith.constant 0 : i32
    %dma_wait3A_385 = tpu.memref_slice %arg1[%add3A_383, %dma_wait3A_384] : memref<250000x128xf32, #tpu.memory_space<hbm>> -> memref<5000x128xf32, #tpu.memory_space<hbm>>
    tpu.wait_dma2 semaphore(%arg5 : memref<!tpu.dma_semaphore, #tpu.memory_space<semaphore_mem>>) src(%dma_wait3A_385 : memref<5000x128xf32, #tpu.memory_space<hbm>>) dst(%arg3 : memref<5000x128xf32, #tpu.memory_space<vmem_shared>>)
    %add3A_386 = arith.constant 120000 : i32
    %add3A_387 = arith.addi %mul3A_0, %add3A_386 : i32
    %dma_start3A_388 = arith.constant 0 : i32
    %dma_start3A_389 = tpu.memref_slice %arg2[%add3A_387, %dma_start3A_388] : memref<250000x128xf32, #tpu.memory_space<hbm>> -> memref<5000x128xf32, #tpu.memory_space<hbm>>
    tpu.enqueue_dma source(%arg3 : memref<5000x128xf32, #tpu.memory_space<vmem_shared>>) target(%dma_start3A_389 : memref<5000x128xf32, #tpu.memory_space<hbm>>) target_semaphore(%arg7 : memref<!tpu.dma_semaphore, #tpu.memory_space<semaphore_mem>>)
    %add3A_390 = arith.constant 115000 : i32
    %add3A_391 = arith.addi %mul3A_0, %add3A_390 : i32
    %dma_wait3A_392 = arith.constant 0 : i32
    %dma_wait3A_393 = tpu.memref_slice %arg2[%add3A_391, %dma_wait3A_392] : memref<250000x128xf32, #tpu.memory_space<hbm>> -> memref<5000x128xf32, #tpu.memory_space<hbm>>
    tpu.wait_dma2 semaphore(%arg8 : memref<!tpu.dma_semaphore, #tpu.memory_space<semaphore_mem>>) src(%arg4 : memref<5000x128xf32, #tpu.memory_space<vmem_shared>>) dst(%dma_wait3A_393 : memref<5000x128xf32, #tpu.memory_space<hbm>>)
    %add3A_394 = arith.constant 120000 : i32
    %add3A_395 = arith.addi %mul3A_0, %add3A_394 : i32
    %dma_wait3A_396 = arith.constant 0 : i32
    %dma_wait3A_397 = tpu.memref_slice %arg2[%add3A_395, %dma_wait3A_396] : memref<250000x128xf32, #tpu.memory_space<hbm>> -> memref<5000x128xf32, #tpu.memory_space<hbm>>
    tpu.wait_dma2 semaphore(%arg7 : memref<!tpu.dma_semaphore, #tpu.memory_space<semaphore_mem>>) src(%arg3 : memref<5000x128xf32, #tpu.memory_space<vmem_shared>>) dst(%dma_wait3A_397 : memref<5000x128xf32, #tpu.memory_space<hbm>>)
    return
  }
}

</mosaic_0001>

<sc_bundles>
// kernel: kernel.3.cloned.1.call-start
scs
__scs_entry_jumppad:
0x0: {  	(pc) =	sbr.rel $0x88, $3  }
0x1: {  	(tag) =	ssettag $0x0;
	lr =	simm.s32 $0x1  }
0x2: {  	[smem:$0x3FA0] =	sst lr;
	_ =	strace $0xD0000000  }
0x3: {  	_ = 	snop  }
0x4: {  	_ = 	snop  }
0x5: {  	_ = 	snop  }
0x6: {  	_ = 	snop  }
0x7: {  	_ = 	snop  }
__scs_overlays_trampoline_lowered:
0x8: {  	[smem:$0x3FAF] =	sst s0  }
0x9: {  	[smem:$0x3FB0] =	sst s1  }
0xa: {  	[smem:$0x3FB1] =	sst s2  }
0xb: {  	[smem:$0x3FB2] =	sst s3  }
0xc: {  	[smem:$0x3FB3] =	sst s4  }
0xd: {  	[smem:$0x3FB4] =	sst s5  }
0xe: {  	[smem:$0x3FB5] =	sst s6  }
0xf: {  	[smem:$0x3FB6] =	sst s7  }
0x10: {  	[smem:$0x3FB7] =	sst s8  }
0x11: {  	[smem:$0x3FB8] =	sst s9;
	s0 =	simm.s32 @!p0 $0x0  }
0x12: {  	s1 =	sld [smem:$0x3F9E];
	s0 =	simm.s32 @p0 $0x1  }
0x13: {  	[smem:$0x3FB9] =	sst s0;
	s0 =	simm.s32 @!p1 $0x0  }
0x14: {  	s2 =	sld [smem:$0x3F9D];
	s0 =	simm.s32 @p1 $0x1  }
0x15: {  	[smem:$0x3FBA] =	sst s0;
	s0 =	simm.s32 @!p2 $0x0  }
0x16: {  	s3 =	sld [smem:$0x3FDB];
	s0 =	simm.s32 @p2 $0x1  }
0x17: {  	s4 =	simm.s32 $0x1BF5;
	[smem:$0x3FBC] =	sst s0  }
0x18: {  	s0 =	sld [smem:$0x3F9F];
	_ =	swait.ge [sflag:s4], $0x0  }
0x19: {  	s7 =	sld [smem:$0x3FA0]  }
0x1a: {  	s8 =	sadd.s32 $0xFFFFE003, lr  }
0x1b: {  	s9 =	sadd.s32 $0xFFFFFEF7, lr;
	s5 =	simm.s32 $0xFFFFFFFF;
	p2 =	slt.u32 s8, $0xFFFFF086  }
0x1c: {  	p1 =	slt.u32 s9, $0xF7A;
	s5 =	simm.s32 @!p2 $0x0  }
0x1d: {  	s5 =	simm.s32 @p1 $0x1;
	p0 =	seq.s32 s7, s2  }
0x1e: {  	s7 =	smul.u32 @!p0 $0xF7A, s2;
	p2 =	seq.s32 @!p0 s5, $0x0  }
0x1f: {  	s9 =	smul.u32 $0xF7A, s1;
	s8 =	simm.s32 @!p0 $0x1BF5;
	p2 =	por !p2, p0  }
0x20: {  	[sflag:s8] =	ssyncset.s32 @!p0 $0xFFFFF086;
	s6 =	sadd.s32 @!p0 s3, s7;
	s7 =	simm.s32 @!p0 $0x108  }
0x21: {  	s3 =	sadd.s32 s3, s9;
	s6 =	sadd.s32 @!p0 $0x88, s6;
	s7 =	simm.s32 @p2 $0x1082  }
0x22: {  	[simem:s7], [sflag:s8] =	dma.local @!p0 [hbm:s6], $0xF7A  }
0x23: {  	s9 =	sor.u32 $0xD0000000, s2;
	s6 =	simm.s32 $0x108;
	_ =	swait.ge @!p0 [sflag:s8], $0x0  }
0x24: {  	s3 =	sadd.s32 $0x88, s3;
	s6 =	simm.s32 @!p1 $0x1082;
	[sflag:s4] =	ssyncset.s32 $0xFFFFF086  }
0x25: {  	[simem:s6], [sflag:s4] =	dma.local [hbm:s3], $0xF7A  }
0x26: {  	[smem:$0x3FA0] =	sst s1;
	(tag) =	ssettag s2;
	_ =	strace s9  }
0x27: {  	s1 =	sld [smem:$0x3FB0]  }
0x28: {  	s2 =	sld [smem:$0x3FB1]  }
0x29: {  	s4 =	sld [smem:$0x3FB3]  }
0x2a: {  	p0 =	seq.s32 s5, $0x0;
	s5 =	sld [smem:$0x3FB4]  }
0x2b: {  	s6 =	sld [smem:$0x3FB5]  }
0x2c: {  	s7 =	sld [smem:$0x3FB6]  }
0x2d: {  	s3 =	simm.s32 $0x108;
	s8 =	sld [smem:$0x3FB7]  }
0x2e: {  	s3 =	simm.s32 @!p0 $0x1082;
	s9 =	sld [smem:$0x3FB8]  }
0x2f: {  	lr =	sadd.s32 s0, s3;
	s0 =	sld [smem:$0x3FAF]  }
0x30: {  	s3 =	sld [smem:$0x3FB2]  }
0x31: {  	[smem:$0x3FBB] =	sst s10  }
0x32: {  	s10 =	sld [smem:$0x3FB9];
	_ =	sdelay $0x3  }
0x33: {  	p0 =	seq.s32 s10, $0x1;
	s10 =	sld [smem:$0x3FBB];
	_ =	sdelay $0x3  }
0x34: {  	[smem:$0x3FBB] =	sst s10  }
0x35: {  	s10 =	sld [smem:$0x3FBA];
	_ =	sdelay $0x3  }
0x36: {  	p1 =	seq.s32 s10, $0x1;
	s10 =	sld [smem:$0x3FBB];
	_ =	sdelay $0x3  }
0x37: {  	[smem:$0x3FBB] =	sst s10  }
0x38: {  	s10 =	sld [smem:$0x3FBC]  }
0x39: {  	_ = 	snop;
	(pc) =	sbr.ind lr, $3  }
0x3a: {  	_ = 	snop  }
0x3b: {  	_ = 	snop  }
0x3c: {  	p2 =	seq.s32 s10, $0x1;
	s10 =	sld [smem:$0x3FBB]  }
0x3d: {  	_ =	shalt  }
0x3e: {  	_ =	shalt  }
0x3f: {  	_ =	shalt  }
0x40: {  	_ =	shalt  }
0x41: {  	_ =	shalt  }
0x42: {  	_ =	shalt  }
0x43: {  	_ =	shalt  }
0x44: {  	_ =	shalt  }
0x45: {  	_ =	shalt  }
0x46: {  	_ =	shalt  }
0x47: {  	_ =	shalt  }
0x48: {  	_ =	shalt  }
0x49: {  	_ =	shalt  }
0x4a: {  	_ =	shalt  }
0x4b: {  	_ =	shalt  }
0x4c: {  	_ =	shalt  }
0x4d: {  	_ =	shalt  }
0x4e: {  	_ =	shalt  }
0x4f: {  	_ =	shalt  }
0x50: {  	_ =	shalt  }
0x51: {  	_ =	shalt  }
0x52: {  	_ =	shalt  }
0x53: {  	_ =	shalt  }
0x54: {  	_ =	shalt  }
0x55: {  	_ =	shalt  }
0x56: {  	_ =	shalt  }
0x57: {  	_ =	shalt  }
0x58: {  	_ =	shalt  }
0x59: {  	_ =	shalt  }
0x5a: {  	_ =	shalt  }
0x5b: {  	_ =	shalt  }
0x5c: {  	_ =	shalt  }
0x5d: {  	_ =	shalt  }
0x5e: {  	_ =	shalt  }
0x5f: {  	_ =	shalt  }
0x60: {  	_ =	shalt  }
0x61: {  	_ =	shalt  }
0x62: {  	_ =	shalt  }
0x63: {  	_ =	shalt  }
0x64: {  	_ =	shalt  }
0x65: {  	_ =	shalt  }
0x66: {  	_ =	shalt  }
0x67: {  	_ =	shalt  }
0x68: {  	_ =	shalt  }
0x69: {  	_ =	shalt  }
0x6a: {  	_ =	shalt  }
0x6b: {  	_ =	shalt  }
0x6c: {  	_ =	shalt  }
0x6d: {  	_ =	shalt  }
0x6e: {  	_ =	shalt  }
0x6f: {  	_ =	shalt  }
0x70: {  	_ =	shalt  }
0x71: {  	_ =	shalt  }
0x72: {  	_ =	shalt  }
0x73: {  	_ =	shalt  }
0x74: {  	_ =	shalt  }
0x75: {  	_ =	shalt  }
0x76: {  	_ =	shalt  }
0x77: {  	_ =	shalt  }
0x78: {  	_ =	shalt  }
0x79: {  	_ =	shalt  }
0x7a: {  	_ =	shalt  }
0x7b: {  	_ =	shalt  }
0x7c: {  	_ =	shalt  }
0x7d: {  	_ =	shalt  }
0x7e: {  	_ =	shalt  }
0x7f: {  	_ =	shalt  }
0x80: {  	_ =	shalt  }
0x81: {  	_ =	shalt  }
0x82: {  	_ =	shalt  }
0x83: {  	_ =	shalt  }
0x84: {  	_ =	shalt  }
0x85: {  	_ =	shalt  }
0x86: {  	_ =	shalt  }
0x87: {  	_ =	shalt  }
.Lfunc_end0:
.L_simem_size_0:
called_computation.1_lowered:
.L_overlay_start_0:
0x88: {  	s2 =	sld [smem:$0x3FD9]  }
0x89: {  	s3 =	sld [smem:$0x3FFE];
	_ =	sdelay $0x1  }
0x8a: {  	s1 =	srdreg.scid  }
0x8b: {  	s0 =	sand.u32 $0x1, s1  }
0x8c: {  	s15 =	sshll.u32 s0, $0xA;
	s2 =	sadd.s32 s3, s2  }
0x8d: {  	s2 =	sadd.s32 s2, s15  }
0x8e: {  	[smem:$0x3FC7] =	sst s2  }
0x8f: {  	s2 =	simm.s32 $0x0  }
0x90: {  	[smem:$0xF] =	sst s2  }
0x91: {  	s3 =	sld [smem:$0x3FD0];
	(tm) =	ssettm $0x1  }
0x92: {  	s4 =	sld [smem:$0x3FFB];
	_ =	sdelay $0x3  }
0x93: {  	_ =	strace s4  }
0x94: {  	s4 =	sld [smem:$0x3FFC];
	_ =	sdelay $0x3  }
0x95: {  	_ =	strace s4  }
0x96: {  	s4 =	sld [smem:$0x3FFD];
	_ =	sdelay $0x3  }
0x97: {  	_ =	strace s4  }
0x98: {  	s16 =	simm.s32 $0x1B8B;
	_ =	strace $0x8FFFFFFF  }
0x99: {  	_ =	swait.ge [sflag:s16], $0x1  }
0x9a: {  	s5 =	simm.s32 $0x1B8E;
	s8 =	smul.u32 $0xF42400, s0;
	[sflag:s16] =	ssyncset.done $0x0  }
0x9b: {  	s7 =	smul.u32 $0x1E8480, s0;
	s17 =	sld [smem:$0x3FFE];
	[sflag:s16] =	ssyncadd.s32 $0xFFFFFFFF  }
0x9c: {  	s10 =	simm.s32 $0xB;
	s8 =	sshrl.u32 s8, $0x3;
	[smem:$0x3FD2] =	sst s5  }
0x9d: {  	s6 =	sadd.s32 s7, s3;
	s5 =	simm.s32 $0xA;
	_ =	strace $0x80000046  }
0x9e: {  	[spmem:s2], [sflag:s5] =	dma.local [hbm:s6], $0x13880  }
0x9f: {  	s9 =	simm.s32 $0x13880;
	s18 =	sadd.s32 $0x13880, s8;
	_ =	swait.ge [sflag:s5], $0x13880  }
0xa0: {  	s11 =	sadd.s32 s18, s3;
	s6 =	sadd.s32 $0x800, s17;
	[sflag:s5] =	ssyncset.done $0x0  }
0xa1: {  	s4 =	simm.s32 $0xC;
	s7 =	sadd.s32 s7, s6;
	[sflag:s5] =	ssyncadd.s32 $0xFFFEC780  }
0xa2: {  	[hbm:s7], [sflag:s4] =	dma.local [spmem:s2], $0x13880  }
0xa3: {  	[spmem:s9], [sflag:s10] =	dma.local [hbm:s11], $0x13880  }
0xa4: {  	_ =	swait.ge [sflag:s10], $0x13880  }
0xa5: {  	[sflag:s10] =	ssyncset.done $0x0  }
0xa6: {  	[sflag:s10] =	ssyncadd.s32 $0xFFFEC780  }
0xa7: {  	s19 =	sadd.s32 s18, s6;
	s7 =	simm.s32 $0xD  }
0xa8: {  	[hbm:s19], [sflag:s7] =	dma.local [spmem:s9], $0x13880  }
0xa9: {  	_ =	swait.ge [sflag:s4], $0x13880  }
0xaa: {  	[sflag:s4] =	ssyncset.done $0x0  }
0xab: {  	s20 =	sadd.s32 $0x27100, s8;
	[sflag:s4] =	ssyncadd.s32 $0xFFFEC780  }
0xac: {  	s12 =	sadd.s32 s20, s3  }
0xad: {  	[spmem:s2], [sflag:s5] =	dma.local [hbm:s12], $0x13880  }
0xae: {  	_ =	swait.ge [sflag:s5], $0x13880  }
0xaf: {  	[sflag:s5] =	ssyncset.done $0x0  }
0xb0: {  	[sflag:s5] =	ssyncadd.s32 $0xFFFEC780  }
0xb1: {  	s11 =	sadd.s32 s20, s6  }
0xb2: {  	[hbm:s11], [sflag:s4] =	dma.local [spmem:s2], $0x13880  }
0xb3: {  	_ =	swait.ge [sflag:s7], $0x13880  }
0xb4: {  	[sflag:s7] =	ssyncset.done $0x0  }
0xb5: {  	s21 =	sadd.s32 $0x3A980, s8;
	[sflag:s7] =	ssyncadd.s32 $0xFFFEC780  }
0xb6: {  	s22 =	sadd.s32 s21, s3  }
0xb7: {  	[spmem:s9], [sflag:s10] =	dma.local [hbm:s22], $0x13880  }
0xb8: {  	_ =	swait.ge [sflag:s10], $0x13880  }
0xb9: {  	[sflag:s10] =	ssyncset.done $0x0  }
0xba: {  	[sflag:s10] =	ssyncadd.s32 $0xFFFEC780  }
0xbb: {  	s11 =	sadd.s32 s21, s6  }
0xbc: {  	[hbm:s11], [sflag:s7] =	dma.local [spmem:s9], $0x13880  }
0xbd: {  	_ =	swait.ge [sflag:s4], $0x13880  }
0xbe: {  	[sflag:s4] =	ssyncset.done $0x0  }
0xbf: {  	s23 =	sadd.s32 $0x4E200, s8;
	[sflag:s4] =	ssyncadd.s32 $0xFFFEC780  }
0xc0: {  	s24 =	sadd.s32 s23, s3  }
0xc1: {  	[spmem:s2], [sflag:s5] =	dma.local [hbm:s24], $0x13880  }
0xc2: {  	_ =	swait.ge [sflag:s5], $0x13880  }
0xc3: {  	[sflag:s5] =	ssyncset.done $0x0  }
0xc4: {  	[sflag:s5] =	ssyncadd.s32 $0xFFFEC780  }
0xc5: {  	s11 =	sadd.s32 s23, s6  }
0xc6: {  	[hbm:s11], [sflag:s4] =	dma.local [spmem:s2], $0x13880  }
0xc7: {  	_ =	swait.ge [sflag:s7], $0x13880  }
0xc8: {  	[sflag:s7] =	ssyncset.done $0x0  }
0xc9: {  	s25 =	sadd.s32 $0x61A80, s8;
	[sflag:s7] =	ssyncadd.s32 $0xFFFEC780  }
0xca: {  	s26 =	sadd.s32 s25, s3  }
0xcb: {  	[spmem:s9], [sflag:s10] =	dma.local [hbm:s26], $0x13880  }
0xcc: {  	_ =	swait.ge [sflag:s10], $0x13880  }
0xcd: {  	[sflag:s10] =	ssyncset.done $0x0  }
0xce: {  	[sflag:s10] =	ssyncadd.s32 $0xFFFEC780  }
0xcf: {  	s11 =	sadd.s32 s25, s6  }
0xd0: {  	[hbm:s11], [sflag:s7] =	dma.local [spmem:s9], $0x13880  }
0xd1: {  	_ =	swait.ge [sflag:s4], $0x13880  }
0xd2: {  	[sflag:s4] =	ssyncset.done $0x0  }
0xd3: {  	s28 =	sadd.s32 $0x75300, s8;
	[sflag:s4] =	ssyncadd.s32 $0xFFFEC780  }
0xd4: {  	s29 =	sadd.s32 s28, s3  }
0xd5: {  	[spmem:s2], [sflag:s5] =	dma.local [hbm:s29], $0x13880  }
0xd6: {  	_ =	swait.ge [sflag:s5], $0x13880  }
0xd7: {  	[sflag:s5] =	ssyncset.done $0x0  }
0xd8: {  	[sflag:s5] =	ssyncadd.s32 $0xFFFEC780  }
0xd9: {  	s11 =	sadd.s32 s28, s6  }
0xda: {  	[hbm:s11], [sflag:s4] =	dma.local [spmem:s2], $0x13880  }
0xdb: {  	_ =	swait.ge [sflag:s7], $0x13880  }
0xdc: {  	[sflag:s7] =	ssyncset.done $0x0  }
0xdd: {  	s30 =	sadd.s32 $0x88B80, s8;
	[sflag:s7] =	ssyncadd.s32 $0xFFFEC780  }
0xde: {  	s31 =	sadd.s32 s30, s3  }
0xdf: {  	[spmem:s9], [sflag:s10] =	dma.local [hbm:s31], $0x13880  }
0xe0: {  	_ =	swait.ge [sflag:s10], $0x13880  }
0xe1: {  	[sflag:s10] =	ssyncset.done $0x0  }
0xe2: {  	[sflag:s10] =	ssyncadd.s32 $0xFFFEC780  }
0xe3: {  	s11 =	sadd.s32 s30, s6  }
0xe4: {  	[hbm:s11], [sflag:s7] =	dma.local [spmem:s9], $0x13880  }
0xe5: {  	_ =	swait.ge [sflag:s4], $0x13880  }
0xe6: {  	[sflag:s4] =	ssyncset.done $0x0  }
0xe7: {  	s13 =	sadd.s32 $0x9C400, s8;
	[sflag:s4] =	ssyncadd.s32 $0xFFFEC780  }
0xe8: {  	s14 =	sadd.s32 s13, s3  }
0xe9: {  	[spmem:s2], [sflag:s5] =	dma.local [hbm:s14], $0x13880  }
0xea: {  	_ =	swait.ge [sflag:s5], $0x13880  }
0xeb: {  	[sflag:s5] =	ssyncset.done $0x0  }
0xec: {  	[sflag:s5] =	ssyncadd.s32 $0xFFFEC780  }
0xed: {  	s11 =	sadd.s32 s13, s6  }
0xee: {  	[hbm:s11], [sflag:s4] =	dma.local [spmem:s2], $0x13880  }
0xef: {  	_ =	swait.ge [sflag:s7], $0x13880  }
0xf0: {  	[sflag:s7] =	ssyncset.done $0x0  }
0xf1: {  	s15 =	sadd.s32 $0xAFC80, s8;
	[sflag:s7] =	ssyncadd.s32 $0xFFFEC780  }
0xf2: {  	s16 =	sadd.s32 s15, s3  }
0xf3: {  	[spmem:s9], [sflag:s10] =	dma.local [hbm:s16], $0x13880  }
0xf4: {  	_ =	swait.ge [sflag:s10], $0x13880  }
0xf5: {  	[sflag:s10] =	ssyncset.done $0x0  }
0xf6: {  	[sflag:s10] =	ssyncadd.s32 $0xFFFEC780  }
0xf7: {  	s11 =	sadd.s32 s15, s6  }
0xf8: {  	[hbm:s11], [sflag:s7] =	dma.local [spmem:s9], $0x13880  }
0xf9: {  	_ =	swait.ge [sflag:s4], $0x13880  }
0xfa: {  	[sflag:s4] =	ssyncset.done $0x0  }
0xfb: {  	s17 =	sadd.s32 $0xC3500, s8;
	[sflag:s4] =	ssyncadd.s32 $0xFFFEC780  }
0xfc: {  	s18 =	sadd.s32 s17, s3  }
0xfd: {  	[spmem:s2], [sflag:s5] =	dma.local [hbm:s18], $0x13880  }
0xfe: {  	_ =	swait.ge [sflag:s5], $0x13880  }
0xff: {  	[sflag:s5] =	ssyncset.done $0x0  }
0x100: {  	[sflag:s5] =	ssyncadd.s32 $0xFFFEC780  }
0x101: {  	s11 =	sadd.s32 s17, s6  }
0x102: {  	[hbm:s11], [sflag:s4] =	dma.local [spmem:s2], $0x13880  }
0x103: {  	_ =	swait.ge [sflag:s7], $0x13880  }
0x104: {  	[sflag:s7] =	ssyncset.done $0x0  }
0x105: {  	s19 =	sadd.s32 $0xD6D80, s8;
	[sflag:s7] =	ssyncadd.s32 $0xFFFEC780  }
0x106: {  	s20 =	sadd.s32 s19, s3  }
0x107: {  	[spmem:s9], [sflag:s10] =	dma.local [hbm:s20], $0x13880  }
0x108: {  	_ =	swait.ge [sflag:s10], $0x13880  }
0x109: {  	[sflag:s10] =	ssyncset.done $0x0  }
0x10a: {  	[sflag:s10] =	ssyncadd.s32 $0xFFFEC780  }
0x10b: {  	s11 =	sadd.s32 s19, s6  }
0x10c: {  	[hbm:s11], [sflag:s7] =	dma.local [spmem:s9], $0x13880  }
0x10d: {  	_ =	swait.ge [sflag:s4], $0x13880  }
0x10e: {  	[sflag:s4] =	ssyncset.done $0x0  }
0x10f: {  	s21 =	sadd.s32 $0xEA600, s8;
	[sflag:s4] =	ssyncadd.s32 $0xFFFEC780  }
0x110: {  	s22 =	sadd.s32 s21, s3  }
0x111: {  	[spmem:s2], [sflag:s5] =	dma.local [hbm:s22], $0x13880  }
0x112: {  	_ =	swait.ge [sflag:s5], $0x13880  }
0x113: {  	[sflag:s5] =	ssyncset.done $0x0  }
0x114: {  	[sflag:s5] =	ssyncadd.s32 $0xFFFEC780  }
0x115: {  	s11 =	sadd.s32 s21, s6  }
0x116: {  	[hbm:s11], [sflag:s4] =	dma.local [spmem:s2], $0x13880  }
0x117: {  	_ =	swait.ge [sflag:s7], $0x13880  }
0x118: {  	[sflag:s7] =	ssyncset.done $0x0  }
0x119: {  	s23 =	sadd.s32 $0xFDE80, s8;
	[sflag:s7] =	ssyncadd.s32 $0xFFFEC780  }
0x11a: {  	s24 =	sadd.s32 s23, s3  }
0x11b: {  	[spmem:s9], [sflag:s10] =	dma.local [hbm:s24], $0x13880  }
0x11c: {  	_ =	swait.ge [sflag:s10], $0x13880  }
0x11d: {  	[sflag:s10] =	ssyncset.done $0x0  }
0x11e: {  	[sflag:s10] =	ssyncadd.s32 $0xFFFEC780  }
0x11f: {  	s11 =	sadd.s32 s23, s6  }
0x120: {  	[hbm:s11], [sflag:s7] =	dma.local [spmem:s9], $0x13880  }
0x121: {  	_ =	swait.ge [sflag:s4], $0x13880  }
0x122: {  	[sflag:s4] =	ssyncset.done $0x0  }
0x123: {  	s25 =	sadd.s32 $0x111700, s8;
	[sflag:s4] =	ssyncadd.s32 $0xFFFEC780  }
0x124: {  	s26 =	sadd.s32 s25, s3  }
0x125: {  	[spmem:s2], [sflag:s5] =	dma.local [hbm:s26], $0x13880  }
0x126: {  	_ =	swait.ge [sflag:s5], $0x13880  }
0x127: {  	[sflag:s5] =	ssyncset.done $0x0  }
0x128: {  	[sflag:s5] =	ssyncadd.s32 $0xFFFEC780  }
0x129: {  	s11 =	sadd.s32 s25, s6  }
0x12a: {  	[hbm:s11], [sflag:s4] =	dma.local [spmem:s2], $0x13880  }
0x12b: {  	_ =	swait.ge [sflag:s7], $0x13880  }
0x12c: {  	[sflag:s7] =	ssyncset.done $0x0  }
0x12d: {  	s28 =	sadd.s32 $0x124F80, s8;
	[sflag:s7] =	ssyncadd.s32 $0xFFFEC780  }
0x12e: {  	s29 =	sadd.s32 s28, s3  }
0x12f: {  	[spmem:s9], [sflag:s10] =	dma.local [hbm:s29], $0x13880  }
0x130: {  	_ =	swait.ge [sflag:s10], $0x13880  }
0x131: {  	[sflag:s10] =	ssyncset.done $0x0  }
0x132: {  	[sflag:s10] =	ssyncadd.s32 $0xFFFEC780  }
0x133: {  	s11 =	sadd.s32 s28, s6  }
0x134: {  	[hbm:s11], [sflag:s7] =	dma.local [spmem:s9], $0x13880  }
0x135: {  	_ =	swait.ge [sflag:s4], $0x13880  }
0x136: {  	[sflag:s4] =	ssyncset.done $0x0  }
0x137: {  	s30 =	sadd.s32 $0x138800, s8;
	[sflag:s4] =	ssyncadd.s32 $0xFFFEC780  }
0x138: {  	s31 =	sadd.s32 s30, s3  }
0x139: {  	[spmem:s2], [sflag:s5] =	dma.local [hbm:s31], $0x13880  }
0x13a: {  	_ =	swait.ge [sflag:s5], $0x13880  }
0x13b: {  	[sflag:s5] =	ssyncset.done $0x0  }
0x13c: {  	[sflag:s5] =	ssyncadd.s32 $0xFFFEC780  }
0x13d: {  	s11 =	sadd.s32 s30, s6  }
0x13e: {  	[hbm:s11], [sflag:s4] =	dma.local [spmem:s2], $0x13880  }
0x13f: {  	_ =	swait.ge [sflag:s7], $0x13880  }
0x140: {  	[sflag:s7] =	ssyncset.done $0x0  }
0x141: {  	s13 =	sadd.s32 $0x14C080, s8;
	[sflag:s7] =	ssyncadd.s32 $0xFFFEC780  }
0x142: {  	s14 =	sadd.s32 s13, s3  }
0x143: {  	[spmem:s9], [sflag:s10] =	dma.local [hbm:s14], $0x13880  }
0x144: {  	_ =	swait.ge [sflag:s10], $0x13880  }
0x145: {  	[sflag:s10] =	ssyncset.done $0x0  }
0x146: {  	[sflag:s10] =	ssyncadd.s32 $0xFFFEC780  }
0x147: {  	s11 =	sadd.s32 s13, s6  }
0x148: {  	[hbm:s11], [sflag:s7] =	dma.local [spmem:s9], $0x13880  }
0x149: {  	_ =	swait.ge [sflag:s4], $0x13880  }
0x14a: {  	[sflag:s4] =	ssyncset.done $0x0  }
0x14b: {  	s15 =	sadd.s32 $0x15F900, s8;
	[sflag:s4] =	ssyncadd.s32 $0xFFFEC780  }
0x14c: {  	s16 =	sadd.s32 s15, s3  }
0x14d: {  	[spmem:s2], [sflag:s5] =	dma.local [hbm:s16], $0x13880  }
0x14e: {  	_ =	swait.ge [sflag:s5], $0x13880  }
0x14f: {  	[sflag:s5] =	ssyncset.done $0x0  }
0x150: {  	[sflag:s5] =	ssyncadd.s32 $0xFFFEC780  }
0x151: {  	s11 =	sadd.s32 s15, s6  }
0x152: {  	[hbm:s11], [sflag:s4] =	dma.local [spmem:s2], $0x13880  }
0x153: {  	_ =	swait.ge [sflag:s7], $0x13880  }
0x154: {  	[sflag:s7] =	ssyncset.done $0x0  }
0x155: {  	s17 =	sadd.s32 $0x173180, s8;
	[sflag:s7] =	ssyncadd.s32 $0xFFFEC780  }
0x156: {  	s18 =	sadd.s32 s17, s3  }
0x157: {  	[spmem:s9], [sflag:s10] =	dma.local [hbm:s18], $0x13880  }
0x158: {  	_ =	swait.ge [sflag:s10], $0x13880  }
0x159: {  	[sflag:s10] =	ssyncset.done $0x0  }
0x15a: {  	[sflag:s10] =	ssyncadd.s32 $0xFFFEC780  }
0x15b: {  	s11 =	sadd.s32 s17, s6  }
0x15c: {  	[hbm:s11], [sflag:s7] =	dma.local [spmem:s9], $0x13880  }
0x15d: {  	_ =	swait.ge [sflag:s4], $0x13880  }
0x15e: {  	[sflag:s4] =	ssyncset.done $0x0  }
0x15f: {  	s19 =	sadd.s32 $0x186A00, s8;
	[sflag:s4] =	ssyncadd.s32 $0xFFFEC780  }
0x160: {  	s20 =	sadd.s32 s19, s3  }
0x161: {  	[spmem:s2], [sflag:s5] =	dma.local [hbm:s20], $0x13880  }
0x162: {  	_ =	swait.ge [sflag:s5], $0x13880  }
0x163: {  	[sflag:s5] =	ssyncset.done $0x0  }
0x164: {  	[sflag:s5] =	ssyncadd.s32 $0xFFFEC780  }
0x165: {  	s11 =	sadd.s32 s19, s6  }
0x166: {  	[hbm:s11], [sflag:s4] =	dma.local [spmem:s2], $0x13880  }
0x167: {  	_ =	swait.ge [sflag:s7], $0x13880  }
0x168: {  	[sflag:s7] =	ssyncset.done $0x0  }
0x169: {  	s21 =	sadd.s32 $0x19A280, s8;
	[sflag:s7] =	ssyncadd.s32 $0xFFFEC780  }
0x16a: {  	s22 =	sadd.s32 s21, s3  }
0x16b: {  	[spmem:s9], [sflag:s10] =	dma.local [hbm:s22], $0x13880  }
0x16c: {  	_ =	swait.ge [sflag:s10], $0x13880  }
0x16d: {  	[sflag:s10] =	ssyncset.done $0x0  }
0x16e: {  	[sflag:s10] =	ssyncadd.s32 $0xFFFEC780  }
0x16f: {  	s11 =	sadd.s32 s21, s6  }
0x170: {  	[hbm:s11], [sflag:s7] =	dma.local [spmem:s9], $0x13880  }
0x171: {  	_ =	swait.ge [sflag:s4], $0x13880  }
0x172: {  	[sflag:s4] =	ssyncset.done $0x0  }
0x173: {  	s23 =	sadd.s32 $0x1ADB00, s8;
	[sflag:s4] =	ssyncadd.s32 $0xFFFEC780  }
0x174: {  	s24 =	sadd.s32 s23, s3  }
0x175: {  	[spmem:s2], [sflag:s5] =	dma.local [hbm:s24], $0x13880  }
0x176: {  	_ =	swait.ge [sflag:s5], $0x13880  }
0x177: {  	[sflag:s5] =	ssyncset.done $0x0  }
0x178: {  	[sflag:s5] =	ssyncadd.s32 $0xFFFEC780  }
0x179: {  	s11 =	sadd.s32 s23, s6  }
0x17a: {  	[hbm:s11], [sflag:s4] =	dma.local [spmem:s2], $0x13880  }
0x17b: {  	_ =	swait.ge [sflag:s7], $0x13880  }
0x17c: {  	[sflag:s7] =	ssyncset.done $0x0  }
0x17d: {  	s25 =	sadd.s32 $0x1C1380, s8;
	[sflag:s7] =	ssyncadd.s32 $0xFFFEC780  }
0x17e: {  	s26 =	sadd.s32 s25, s3  }
0x17f: {  	[spmem:s9], [sflag:s10] =	dma.local [hbm:s26], $0x13880  }
0x180: {  	_ =	swait.ge [sflag:s10], $0x13880  }
0x181: {  	[sflag:s10] =	ssyncset.done $0x0  }
0x182: {  	[sflag:s10] =	ssyncadd.s32 $0xFFFEC780  }
0x183: {  	s28 =	sadd.s32 s25, s6  }
0x184: {  	[hbm:s28], [sflag:s7] =	dma.local [spmem:s9], $0x13880  }
0x185: {  	_ =	swait.ge [sflag:s4], $0x13880  }
0x186: {  	[sflag:s4] =	ssyncset.done $0x0  }
0x187: {  	s8 =	sadd.s32 $0x1D4C00, s8;
	[sflag:s4] =	ssyncadd.s32 $0xFFFEC780  }
0x188: {  	s3 =	sadd.s32 s8, s3  }
0x189: {  	[spmem:s2], [sflag:s5] =	dma.local [hbm:s3], $0x13880  }
0x18a: {  	_ =	swait.ge [sflag:s5], $0x13880  }
0x18b: {  	[sflag:s5] =	ssyncset.done $0x0  }
0x18c: {  	[sflag:s5] =	ssyncadd.s32 $0xFFFEC780  }
0x18d: {  	s29 =	sadd.s32 s8, s6  }
0x18e: {  	[hbm:s29], [sflag:s4] =	dma.local [spmem:s2], $0x13880  }
0x18f: {  	_ =	swait.ge [sflag:s7], $0x13880  }
0x190: {  	[sflag:s7] =	ssyncset.done $0x0  }
0x191: {  	[sflag:s7] =	ssyncadd.s32 $0xFFFEC780;
	_ =	sdelay $0x2  }
0x192: {  	_ =	swait.ge [sflag:s4], $0x13880  }
0x193: {  	[sflag:s4] =	ssyncset.done $0x0  }
0x194: {  	[sflag:s4] =	ssyncadd.s32 $0xFFFEC780  }
0x195: {  	_ =	strace $0x90000046  }
0x196: {  	_ =	sfence  }
0x197: {  	s30 =	sld [smem:$0x0];
	_ =	sdelay $0x2  }
0x198: {  	s31 =	sshll.u32 s1, $0xD;
	s1 =	sshrl.u32 s1, $0x2  }
0x199: {  	s3 =	sand.u32 $0x4000, s31;
	s1 =	sadd.s32 s1, s30  }
0x19a: {  	s0 =	sor.u32 s3, s0;
	s1 =	sshll.u32 s1, $0x11  }
0x19b: {  	s0 =	sor.u32 s1, s0  }
0x19c: {  	s0 =	sadd.s32 $0x8F2B, s0;
	(pc) =	sbr.abs _section_cstart, $3  }
0x19d: {  	[sflag:s0] =	ssyncadd.remote.s32 $0x1  }
0x19e: {  	_ =	strace $0x9FFFFFFF  }
0x19f: {  	(tm) =	ssettm $0x7FFFFFFF  }

// kernel: sparse-core-data-format-call.cloned.1.call-start
scs
called_computation_lowered:
.L_overlay_start_0:
0x0: {  	s2 =	sld [smem:$0x3FD9]  }
0x1: {  	s3 =	sld [smem:$0x3FFE];
	_ =	sdelay $0x1  }
0x2: {  	s1 =	srdreg.scid  }
0x3: {  	s0 =	sand.u32 $0x1, s1  }
0x4: {  	s18 =	sshll.u32 s0, $0xA;
	s2 =	sadd.s32 s3, s2  }
0x5: {  	s2 =	sadd.s32 s2, s18  }
0x6: {  	[smem:$0x3FC7] =	sst s2  }
0x7: {  	_ = 	snop  }
0x8: {  	s2 =	sld [smem:$0x3FD0];
	(tm) =	ssettm $0x1  }
0x9: {  	s19 =	sld [smem:$0x3FFB];
	_ =	sdelay $0x3  }
0xa: {  	_ =	strace s19  }
0xb: {  	s3 =	sld [smem:$0x3FFC];
	_ =	sdelay $0x3  }
0xc: {  	_ =	strace s3  }
0xd: {  	s3 =	sld [smem:$0x3FFD];
	_ =	sdelay $0x3  }
0xe: {  	_ =	strace s3  }
0xf: {  	_ =	strace $0x8FFFFFFF  }
0x10: {  	s20 =	sld [smem:$0x3FDB];
	_ =	sdelay $0x1  }
0x11: {  	s4 =	simm.s32 $_scs_section_size  }
0x12: {  	s5 =	simm.s32 $_size__tile_overlayer_lowered;
	s6 =	simm.s32 $_tile_overlayer_lowered  }
0x13: {  	s23 =	simm.s32 $0x1BFF;
	s22 =	sshll.u32 s6, $0x1;
	s3 =	sadd.s32 s4, s20  }
0x14: {  	s7 =	simm.s32 $0x0;
	s21 =	sshll.u32 s5, $0x1;
	s5 =	sadd.s32 s22, s3  }
0x15: {  	[timem:s7], [sflag:s23] =	dma.local [hbm:s5], s21  }
0x16: {  	_ =	swait.ge [sflag:s23], s21  }
0x17: {  	s4 =	ssub.s32 $0x0, s21;
	[sflag:s23] =	ssyncset.done $0x0  }
0x18: {  	[sflag:s23] =	ssyncadd.s32 s4;
	_ =	sdelay $0x1  }
0x19: {  	s24 =	simm.s32 $0x1B8B  }
0x1a: {  	_ =	swait.ge [sflag:s24], $0x1  }
0x1b: {  	[sflag:s24] =	ssyncset.done $0x0  }
0x1c: {  	s26 =	simm.s32 $0x1B8E;
	s25 =	sld [smem:$0x3FFE];
	[sflag:s24] =	ssyncadd.s32 $0xFFFFFFFF  }
0x1d: {  	s27 =	simm.s32 $execute0_lowered;
	[smem:$0x3FD2] =	sst s26  }
0x1e: {  	s5 =	sshll.u32 s27, $0x1;
	_ =	strace $0x80000047;
	[dreg:$0x1] =	wrdreg $0xFFFFFFFF  }
0x1f: {  	s28 =	simm.s32 $_size_execute0_lowered;
	s3 =	sadd.s32 s3, s5;
	[dreg:$0x0] =	wrdreg $0x0  }
0x20: {  	s5 =	sshll.u32 s28, $0x1;
	[dreg:$0x2] =	wrdreg s3  }
0x21: {  	[dreg:$0x3] =	wrdreg s5  }
0x22: {  	[dreg:$0x4] =	wrdreg $0xC0  }
0x23: {  	_ =	task [dreg:s7], $0x5FFFF  }
0x24: {  	[dreg:$0x1] =	wrdreg $0xFFFFFFFF  }
0x25: {  	[dreg:$0x0] =	wrdreg $0x60  }
0x26: {  	[dreg:$0x2] =	wrdreg s25  }
0x27: {  	[dreg:$0x3] =	wrdreg s2  }
0x28: {  	[dreg:$0x4] =	wrdreg $0x9  }
0x29: {  	_ =	task.clear_ibuf [dreg:s7], $0x5FFFF;
	_ =	strace $0x90000047  }
0x2a: {  	s29 =	simm.s32 $0x9;
	_ =	strace $0x80000049  }
0x2b: {  	_ =	swait.ge [sflag:s29], $0x1  }
0x2c: {  	[sflag:s29] =	ssyncadd.s32 $0xFFFFFFFF  }
0x2d: {  	_ =	strace $0x90000049  }
0x2e: {  	_ =	sfence  }
0x2f: {  	s30 =	sld [smem:$0x0];
	_ =	sdelay $0x2  }
0x30: {  	s31 =	sshll.u32 s1, $0xD;
	s1 =	sshrl.u32 s1, $0x2  }
0x31: {  	s3 =	sand.u32 $0x4000, s31;
	s1 =	sadd.s32 s1, s30  }
0x32: {  	s0 =	sor.u32 s3, s0;
	s1 =	sshll.u32 s1, $0x11  }
0x33: {  	s0 =	sor.u32 s1, s0  }
0x34: {  	s0 =	sadd.s32 $0x8F2B, s0  }
0x35: {  	[sflag:s0] =	ssyncadd.remote.s32 $0x1  }
0x36: {  	_ =	sfence.sel $0xFFFF  }
0x37: {  	[dreg:$0x0] =	wrdreg $0xFFFFFFFF;
	(pc) =	sbr.abs _section_cstart, $3  }
0x38: {  	[dreg:$0x1] =	wrdreg $0xFFFFFFFF  }
0x39: {  	_ =	task.clear_ibuf [dreg:s7], $0x2FFFF;
	_ =	strace $0x9FFFFFFF  }
0x3a: {  	(tm) =	ssettm $0x7FFFFFFF  }
0x3b: {  	_ =	shalt  }
tec
execute0_lowered:
.L_overlay_start_1:
0x0: {  	(tag) =	ssettag $0x1  }
0x1: {  	s4 =	rddreg [dreg:$0x0]  }
0x2: {  	s0 =	srdreg.scid;
	s2 =	rddreg [dreg:$0x1]  }
0x3: {  	s1 =	stileid.u32;
	s5 =	simm.s32 $0x1;
	s0 =	sshll.u32 s0, $0x4  }
0x4: {  	s7 =	simm.s32 $0x2;
	s11 =	simm.s32 $0x0;
	s3 =	sand.u32 $0x10, s0  }
.Ltmp0:
0x5: {  	p0 =	por $0x0, $0x0;
	s3 =	sor.u32 s1, s3;
	(pc) =	sbr.rel .LBB1_1-.Ltmp0, $4  }
0x6: {  	s8 =	simm.s32 $0x7A1400;
	s10 =	simm.s32 $0x0;
	s3 =	sshll.u32 s3, $0x7  }
0x7: {  	s0 =	rddreg [dreg:$0x2];
	_ =	strace $0x80000048;
	s6 =	ssub.s32 $0xF4200, s3  }
0x8: {  	s4 =	sadd.s32 $0x3D1200, s4;
	[sflag:s5] =	ssyncpa.u1 $0x0;
	s6 =	sshrl.u32 s6, $0xC  }
0x9: {  	[sflag:s7] =	ssyncpa.u1 $0x0;
	s9 =	smov.u32 s3;
	s7 =	sadd.s32 $0x2, s6  }
.LBB1_5:
0xa: {  	s13 =	sadd.s32 $0x1000, s9  }
0xb: {  	p2 =	sgt.s32 s13, $0xF423F  }
0xc: {  	s13 =	smov.u32 @p2 s3;
	p2 =	sne.s32 s10, s7  }
.Ltmp1:
0xd: {  	p1 =	slt.u32 s10, $0x2;
	(pc) =	sbr.rel @!p2 .LBB1_6-.Ltmp1, $4  }
0xe: {  	s12 =	simm.s32 @!p1 $0x2  }
0xf: {  	s14 =	sadd.s32 $0x1, s10;
	_ =	swait.ge @!p1 [sflag:s12], $0x1000  }
0x10: {  	s11 =	smov.u32 s9;
	p0 =	por !p0, !p0;
	[sflag:s12] =	ssyncset.done @!p1 $0x0  }
0x11: {  	s10 =	smov.u32 s14;
	s9 =	smov.u32 s13;
	[sflag:s12] =	ssyncadd.s32 @!p1 $0xFFFFF000  }
.LBB1_1:
0x12: {  	p1 =	sgt.u32 s10, s6  }
0x13: {  	s13 =	smov.u32 s9;
	p2 =	sgt.s32 @!p1 s9, $0xF41C0  }
0x14: {  	s12 =	sand.u32 @!p1 $0x1FFFFFF, s9;
	s14 =	sshra.s32 @!p1 s9, $0x1F;
	p2 =	por !p2, p1  }
0x15: {  	s15 =	smulhi.u32 @!p1 $0x218DEF5, s12;
	s14 =	sand.u32 @!p1 s14, s9;
	s13 =	simm.s32 @p2 $0xF41C0  }
0x16: {  	s13 =	ssub.s32 @!p1 s13, s14  }
0x17: {  	s14 =	sshrl.u32 @!p1 s15, $0xD;
	s13 =	sadd.s32 @!p1 $0xFFF0BE40, s13  }
0x18: {  	s15 =	sxor.u32 @!p1 $0xFFFFFFFF, s10;
	s14 =	smul.u32 @!p1 $0xF4240, s14;
	s16 =	sshll.u32 @!p1 s13, $0x7  }
0x19: {  	s15 =	sshll.u32 @!p1 s15, $0xC;
	p2 =	sgt.s32 @!p1 s13, $0x7F;
	s13 =	ssub.s32 @!p1 $0x4000, s16  }
0x1a: {  	s12 =	ssub.s32 @!p1 s12, s14;
	p2 =	por !p2, p1;
	s14 =	sand.u32 @!p1 $0x1000, s15  }
0x1b: {  	s15 =	simm.s32 @!p1 $0x20;
	s13 =	sshrl.u32 @!p1 s13, $0x2;
	s12 =	sshll.u32 @!p1 s12, $0x4  }
0x1c: {  	s16 =	simm.s32 @!p1 $0x80;
	s13 =	simm.s32 @!p2 $0x0;
	s12 =	sadd.s32 @!p1 s4, s12  }
0x1d: {  	[tilespmem:s14], [sflag:$0x1] =	stream.strided.gather @!p1 [hbm4b:s12+s15], s13, s16, s15, $0x38;
	[tilespmem:$0x4040] =	vst v63  }
0x1e: {  	p1 =	seq.s32 s10, $0x0  }
0x1f: {  	p2 =	sge.u32 @!p1 s10, s7  }
0x20: {  	p1 =	por p1, p2  }
.Ltmp2:
0x21: {  	_ = 	snop;
	(pc) =	sbr.rel @p1 .LBB1_5-.Ltmp2, $1  }
0x22: {  	_ =	sdelay $0x3  }
0x23: {  	p1 =	sgt.s32 s11, $0xF41C0;
	s12 =	smov.u32 s11;
	s13 =	sshra.s32 s11, $0x1F  }
0x24: {  	s12 =	simm.s32 @!p1 $0xF41C0;
	s13 =	sand.u32 s13, s11  }
0x25: {  	s12 =	ssub.s32 s12, s13  }
0x26: {  	s12 =	sadd.s32 $0xFFF0BE40, s12  }
0x27: {  	s28 =	sshll.u32 s12, $0x7  }
0x28: {  	s13 =	ssub.s32 $0x4000, s28  }
0x29: {  	p1 =	sgt.s32 s12, $0x7F;
	s12 =	sshrl.u32 s13, $0x2  }
0x2a: {  	s13 =	simm.s32 $0x1;
	s12 =	simm.s32 @p1 $0x0  }
0x2b: {  	s13 =	simm.s32 @!p0 $0x0;
	_ =	swait.ge [sflag:s5], s12  }
0x2c: {  	s14 =	sshll.u32 s13, $0xC;
	s12 =	ssub.s32 $0x0, s12;
	[sflag:s5] =	ssyncset.done $0x0  }
0x2d: {  	s16 =	sor.u32 $0x10, s14;
	[sflag:s5] =	ssyncadd.s32 s12  }
0x2e: {  	s29 =	smul.u32 $0x4080, s13;
	v1 =	vld [tilespmem:s16+$0x0]  }
0x2f: {  	s30 =	sand.u32 $0x1, s10;
	v0 =	vld [tilespmem:s16+$0xFFFFFFF0]  }
0x30: {  	s13 =	smul.u32 $0x4080, s30;
	s12 =	sshrl.u32 s29, $0x2  }
0x31: {  	s14 =	sor.u32 $0x2000, s12  }
0x32: {  	s31 =	sshrl.u32 s13, $0x2;
	s13 =	sadd.s32 $0x0, s14  }
0x33: {  	s15 =	simm.s32 $0x4;
	s12 =	sor.u32 $0x2000, s31;
	s16 =	sadd.s32 $0x20, s16;
	[tilespmem:s13+$0x810 ss:$0x81] =	vst.msk $0xffff, v1  }
.LBB1_3:
0x34: {  	v1 =	vld [tilespmem:s16+$0x0];
	p1 =	sne.s32 s15, $0x1FC;
	[tilespmem:s13+$0x0 ss:$0x81] =	vst.msk $0xffff, v0;
	s13 =	smov.u32 s15;
	s15 =	sadd.s32 $0x4, s15  }
.Ltmp3:
0x35: {  	v0 =	vld [tilespmem:s16+$0xFFFFFFF0];
	(pc) =	sbr.rel @p1 .LBB1_3-.Ltmp3, $4  }
0x36: {  	_ = 	snop  }
0x37: {  	s13 =	sshra.s32 s13, $0x2  }
0x38: {  	s13 =	sadd.s32 s13, s14  }
0x39: {  	s16 =	sadd.s32 $0x20, s16;
	[tilespmem:s13+$0x810 ss:$0x81] =	vst.msk $0xffff, v1  }
0x3a: {  	s14 =	sshll.u32 s11, $0x3  }
0x3b: {  	s30 =	sand.u32 $0x7F, s11;
	s14 =	sand.u32 $0xFFFFFC00, s14  }
0x3c: {  	s11 =	sor.u32 s30, s14  }
0x3d: {  	s15 =	smulhi.u32 $0x218D6287, s11;
	_ =	sdelay $0x1  }
0x3e: {  	s14 =	smulhi.u32 $0x218D6287, s14;
	s15 =	sshrl.u32 s15, $0x11  }
0x3f: {  	s15 =	smul.u32 $0xF4280, s15  }
0x40: {  	s14 =	sshrl.u32 s14, $0x11  }
.Ltmp4:
0x41: {  	s14 =	sand.u32 $0x1F, s14;
	s11 =	ssub.s32 s11, s15;
	(pc) =	sbr.rel .LBB1_5-.Ltmp4, $4  }
0x42: {  	s14 =	smul.u32 $0x1E850, s14;
	s15 =	sshrl.u32 s11, $0x3;
	s11 =	sand.u32 $0x7, s11  }
0x43: {  	s15 =	sadd.s32 s2, s15;
	s11 =	sshll.u32 s11, $0x12  }
0x44: {  	[tilespmem:s13+$0x0 ss:$0x81] =	vst.msk $0xffff, v0;
	s31 =	sadd.s32 s14, s15;
	s11 =	sor.u32 $0x400, s11  }
0x45: {  	[hbm4b:s31+s11] =	stream.strided.scatter [tilespmem:s12], [sflag:$0x2], $0x1000, s8, s11, $0x20;
	[tilespmem:$0x4040] =	vst v63  }
.LBB1_6:
0x46: {  	_ =	sfence.sel $0x180000  }
0x47: {  	s2 =	simm.s32 $0x1;
	[bflag:$0x0] =	sbarrier.arrive $0xFFFF  }
0x48: {  	s31 =	simm.s32 $0x2;
	[sflag:s2] =	ssyncpa.u1 $0x1  }
0x49: {  	[sflag:s31] =	ssyncpa.u1 $0x1  }
0x4a: {  	p0 =	sne.s32 s1, $0x0;
	_ =	strace $0x90000048  }
0x4b: {  	s0 =	sadd.s32 @!p0 $0x100000, s0;
	[bflag:$0x2] =	sbarrier.arrive $0xFFFF  }
0x4c: {  	[sflag:s0] =	ssyncadd.tile.s32 @!p0 $0x1;
	_ =	shalt  }
.Lfunc_end1:
_tile_overlayer_lowered:
.L_overlay_start_2:
0x4d: {  	(tag) =	ssettag $0x2  }
0x4e: {  	s0 =	rddreg [dreg:$0x0];
	s2 =	stileid.u32  }
0x4f: {  	s1 =	rddreg [dreg:$0x1];
	p0 =	sne.s32 s2, $0x0  }
0x50: {  	s3 =	rddreg [dreg:$0x2];
	[bflag:$0x3] =	sbarrier.arrive $0xFFFF;
	s2 =	simm.s32 @!p0 $0x1C01  }
0x51: {  	[timem:s3], [sflag:s2] =	dma.local @!p0 [hbm:s0], s1  }
0x52: {  	s0 =	simm.s32 @!p0 $0x1  }
0x53: {  	_ =	swait.ge @!p0 [sflag:s0], s1  }
0x54: {  	s1 =	ssub.s32 @!p0 $0x0, s1;
	[sflag:s0] =	ssyncset.done @!p0 $0x0  }
0x55: {  	[sflag:s0] =	ssyncadd.s32 @!p0 s1  }
0x56: {  	[bflag:$0x3] =	sbarrier.arrive $0xFFFF  }
0x57: {  	_ =	shalt  }

</sc_bundles>
